<compile_context>
chip_gen: v7x
topology: tpu7x:2x2x1
jax: 0.10.2.dev20260603
libtpu: 0.0.44.dev20260713+nightly
codegen_flags: <defaults>
</compile_context>

<pallas_src>
import functools

import jax
import jax.numpy as jnp
from jax import lax
from jax.experimental import pallas as pl
from jax.experimental.pallas import tpu as pltpu
from jax.experimental.pallas import tpu_sc as plsc

NC = 2
NS = 16
NW = NC * NS
K = 640

_PREC = lax.Precision.DEFAULT
_SC_PARAMS = pltpu.CompilerParams(use_tc_tiling_on_sc=False)



def _make_scatter(n_acc, epad, d2):
    epw = epad // NW
    nch = epw // K
    rpw = n_acc // NS
    mesh = plsc.VectorSubcoreMesh(core_axis_name="c", subcore_axis_name="s")

    @functools.partial(
        pl.kernel,
        out_type=tuple(jax.ShapeDtypeStruct((n_acc, d2), jnp.float32)
                       for _ in range(4)),
        mesh=mesh,
        compiler_params=_SC_PARAMS,
        scratch_types=[
            pltpu.VMEM((K,), jnp.int32),
            pltpu.VMEM((K,), jnp.int32),
            pltpu.VMEM((K, d2), jnp.float32),
            pltpu.VMEM_SHARED((n_acc, d2), jnp.float32),
            pltpu.VMEM_SHARED((n_acc, d2), jnp.float32),
        ],
    )
    def scatter_k(xs0_hbm, xs1_hbm, snd_hbm, rcv_hbm, zer_hbm,
                  out00, out01, out10, out11,
                  idx_s, idx_r, rows, xs_sh, acc):
        cid = lax.axis_index("c")
        sid = lax.axis_index("s")
        wid = sid * NC + cid
        r0 = sid * rpw

        def one_half(xs_hbm, outA, outB):
            pltpu.sync_copy(xs_hbm.at[pl.ds(r0, rpw)], xs_sh.at[pl.ds(r0, rpw)])
            pltpu.sync_copy(zer_hbm.at[pl.ds(r0, rpw)], acc.at[pl.ds(r0, rpw)])
            plsc.subcore_barrier()

            def body(ch, carry):
                base = wid * epw + ch * K
                pltpu.sync_copy(snd_hbm.at[pl.ds(base, K)], idx_s)
                pltpu.sync_copy(rcv_hbm.at[pl.ds(base, K)], idx_r)
                pltpu.sync_copy(xs_sh.at[idx_s], rows)
                pltpu.sync_copy(rows, acc.at[idx_r], add=True)
                return carry

            lax.fori_loop(0, nch, body, 0)
            plsc.subcore_barrier()

            @pl.when(cid == 0)
            def _():
                pltpu.sync_copy(acc.at[pl.ds(r0, rpw)], outA.at[pl.ds(r0, rpw)])

            @pl.when(cid == 1)
            def _():
                pltpu.sync_copy(acc.at[pl.ds(r0, rpw)], outB.at[pl.ds(r0, rpw)])

            plsc.subcore_barrier()

        one_half(xs0_hbm, out00, out01)
        one_half(xs1_hbm, out10, out11)

    return scatter_k


def _pick_kd(mpw):
    return next(c for c in (2048, 1280, 1024, 640, 512, 320, 256, 160, 128,
                            64, 32, 16, 8, 4, 2, 1) if mpw % c == 0)


def _make_degree(drows, m):
    mpw = m // NW
    kd = _pick_kd(mpw)
    nch = mpw // kd
    rpw = drows // NS
    mesh = plsc.VectorSubcoreMesh(core_axis_name="c", subcore_axis_name="s")

    @functools.partial(
        pl.kernel,
        out_type=(jax.ShapeDtypeStruct((drows, 16), jnp.float32),
                  jax.ShapeDtypeStruct((drows, 16), jnp.float32)),
        mesh=mesh,
        compiler_params=_SC_PARAMS,
        scratch_types=[
            pltpu.VMEM((kd,), jnp.int32),
            pltpu.VMEM((kd, 16), jnp.float32),
            pltpu.VMEM_SHARED((drows, 16), jnp.float32),
        ],
    )
    def degree_k(didx_hbm, ones_hbm, zer_hbm, out0, out1, idx, ones_v, dacc):
        cid = lax.axis_index("c")
        sid = lax.axis_index("s")
        wid = sid * NC + cid
        r0 = sid * rpw
        pltpu.sync_copy(ones_hbm, ones_v)
        pltpu.sync_copy(zer_hbm.at[pl.ds(r0, rpw)], dacc.at[pl.ds(r0, rpw)])
        plsc.subcore_barrier()

        def body(ch, carry):
            base = wid * mpw + ch * kd
            pltpu.sync_copy(didx_hbm.at[pl.ds(base, kd)], idx)
            pltpu.sync_copy(ones_v, dacc.at[idx], add=True)
            return carry

        lax.fori_loop(0, nch, body, 0)
        plsc.subcore_barrier()

        @pl.when(cid == 0)
        def _():
            pltpu.sync_copy(dacc.at[pl.ds(r0, rpw)], out0.at[pl.ds(r0, rpw)])

        @pl.when(cid == 1)
        def _():
            pltpu.sync_copy(dacc.at[pl.ds(r0, rpw)], out1.at[pl.ds(r0, rpw)])

    return degree_k



def _mlp_block(x, w0, b0, w1, b1):
    x = jnp.maximum(jnp.dot(x, w0, precision=_PREC) + b0, 0.0)
    return jnp.maximum(jnp.dot(x, w1, precision=_PREC) + b1, 0.0)


def _f0_body(d2, nodes, we, be, w0, b0, w1, b1, ds0, ds1,
             h_out, xs0_out, xs1_out):
    h = jnp.dot(nodes[...], we[...], precision=_PREC) + be[...]
    h_out[...] = h
    x = _mlp_block(h, w0[...], b0[...], w1[...], b1[...])
    xs = x * lax.rsqrt(ds0[...] + ds1[...] + 1.0)
    xs0_out[...] = xs[:, :d2]
    xs1_out[...] = xs[:, d2:]


def _f1_body(d2, a00, a01, a10, a11, xs0, xs1, h, dr0, dr1, lnsc, lnof,
             w0, b0, w1, b1, ds0, ds1, h_out, xs0_out, xs1_out):
    y = jnp.concatenate([a00[...] + a01[...] + xs0[...],
                         a10[...] + a11[...] + xs1[...]], axis=1)
    y = y * lax.rsqrt(dr0[...] + dr1[...] + 1.0)
    t = y + h[...]
    mean = jnp.mean(t, axis=1, keepdims=True)
    var = jnp.mean((t - mean) ** 2, axis=1, keepdims=True)
    hn = (t - mean) * lax.rsqrt(var + 1e-5) * lnsc[...] + lnof[...]
    h_out[...] = hn
    x = _mlp_block(hn, w0[...], b0[...], w1[...], b1[...])
    xs = x * lax.rsqrt(ds0[...] + ds1[...] + 1.0)
    xs0_out[...] = xs[:, :d2]
    xs1_out[...] = xs[:, d2:]


def _f2_body(n_valid, grid, a00, a01, a10, a11, xs0, xs1, h, dr0, dr1,
             lnsc, lnof, e2d, wd, bd, h_out, e_out, g_out, acc_ref):
    i = pl.program_id(0)
    y = jnp.concatenate([a00[...] + a01[...] + xs0[...],
                         a10[...] + a11[...] + xs1[...]], axis=1)
    y = y * lax.rsqrt(dr0[...] + dr1[...] + 1.0)
    t = y + h[...]
    mean = jnp.mean(t, axis=1, keepdims=True)
    var = jnp.mean((t - mean) ** 2, axis=1, keepdims=True)
    hn = (t - mean) * lax.rsqrt(var + 1e-5) * lnsc[...] + lnof[...]
    h_out[...] = hn
    e_out[...] = e2d[...] * 4.0

    blk = hn.shape[0]
    row = i * blk + lax.broadcasted_iota(jnp.int32, (blk, 1), 0)
    masked = jnp.where(row < n_valid, hn, 0.0)
    psum = jnp.sum(masked, axis=0, keepdims=True)

    @pl.when(i == 0)
    def _():
        acc_ref[...] = jnp.zeros_like(acc_ref)

    acc_ref[...] += psum

    @pl.when(i == grid - 1)
    def _():
        pooled = acc_ref[...] * (1.0 / n_valid)
        g_out[...] = jnp.dot(pooled, wd[...], precision=_PREC) + bd[...]



def kernel(nodes, edges, globals_, senders, receivers, W_embed, b_embed,
           W_mlp, b_mlp, ln_scale, ln_offset, W_dec, b_dec):
    n, d = nodes.shape
    e = senders.shape[0]
    latent = W_embed.shape[1]
    out_g = W_dec.shape[1]
    d2 = latent // 2

    n_acc = ((n + 1023) // 1024 + (0 if n % 1024 else 1)) * 1024
    if n_acc <= n:
        n_acc = n + 1024
    ndum = n_acc - n
    epad = ((e + NW * K - 1) // (NW * K)) * (NW * K)
    npad = epad - e
    drows = 2 * n_acc

    pad = (jnp.arange(npad, dtype=jnp.int32) % ndum) + n
    snd = jnp.concatenate([senders.astype(jnp.int32), pad])
    rcv = jnp.concatenate([receivers.astype(jnp.int32), pad])
    didx = jnp.concatenate([snd, rcv + n_acc])

    zer_half = jnp.zeros((n_acc, d2), jnp.float32)
    zer_deg = jnp.zeros((drows, 16), jnp.float32)
    ones16 = jnp.ones((_pick_kd(2 * epad // NW), 16), jnp.float32)

    deg_k = _make_degree(drows, 2 * epad)
    d0, d1 = deg_k(didx, ones16, zer_deg)
    ds0 = d0[:n_acc, 0:1]
    ds1 = d1[:n_acc, 0:1]
    dr0 = d0[n_acc:, 0:1]
    dr1 = d1[n_acc:, 0:1]

    nodes_pad = jnp.pad(nodes, ((0, n_acc - n), (0, 0)))
    be = b_embed.reshape(1, latent)
    bd = b_dec.reshape(1, out_g)

    grid = 8
    blk = n_acc // grid
    row_spec = pl.BlockSpec((blk, latent), lambda i: (i, 0))
    half_spec = pl.BlockSpec((blk, d2), lambda i: (i, 0))
    col_spec = pl.BlockSpec((blk, 1), lambda i: (i, 0))
    full_spec = pl.BlockSpec((d, latent), lambda i: (0, 0))
    vec_spec = pl.BlockSpec((1, latent), lambda i: (0, 0))

    half_shape = jax.ShapeDtypeStruct((n_acc, d2), jnp.float32)
    full_shape = jax.ShapeDtypeStruct((n_acc, latent), jnp.float32)

    f0 = pl.pallas_call(
        functools.partial(_f0_body, d2),
        grid=(grid,),
        in_specs=[row_spec, full_spec, vec_spec, full_spec, vec_spec,
                  full_spec, vec_spec, col_spec, col_spec],
        out_specs=[row_spec, half_spec, half_spec],
        out_shape=[full_shape, half_shape, half_shape],
    )
    h0, xs00, xs01 = f0(nodes_pad, W_embed, be,
                        W_mlp[0, 0], b_mlp[0, 0].reshape(1, -1),
                        W_mlp[0, 1], b_mlp[0, 1].reshape(1, -1), ds0, ds1)

    scat_k = _make_scatter(n_acc, epad, d2)

    a000, a001, a010, a011 = scat_k(xs00, xs01, snd, rcv, zer_half)
    f1 = pl.pallas_call(
        functools.partial(_f1_body, d2),
        grid=(grid,),
        in_specs=[half_spec, half_spec, half_spec, half_spec, half_spec,
                  half_spec, row_spec, col_spec, col_spec,
                  vec_spec, vec_spec, full_spec, vec_spec, full_spec,
                  vec_spec, col_spec, col_spec],
        out_specs=[row_spec, half_spec, half_spec],
        out_shape=[full_shape, half_shape, half_shape],
    )
    h1, xs10, xs11 = f1(a000, a001, a010, a011, xs00, xs01, h0, dr0, dr1,
                        ln_scale[0].reshape(1, -1), ln_offset[0].reshape(1, -1),
                        W_mlp[1, 0], b_mlp[1, 0].reshape(1, -1),
                        W_mlp[1, 1], b_mlp[1, 1].reshape(1, -1), ds0, ds1)

    a100, a101, a110, a111 = scat_k(xs10, xs11, snd, rcv, zer_half)

    e4r = e * edges.shape[1] // latent
    g2 = 5
    eblk = e4r // g2
    blk2 = n_acc // g2
    row2 = pl.BlockSpec((blk2, latent), lambda i: (i, 0))
    half2 = pl.BlockSpec((blk2, d2), lambda i: (i, 0))
    col2 = pl.BlockSpec((blk2, 1), lambda i: (i, 0))
    vec2 = pl.BlockSpec((1, latent), lambda i: (0, 0))
    e2d = edges.reshape(e4r, latent)

    f2 = pl.pallas_call(
        functools.partial(_f2_body, float(n), g2),
        grid=(g2,),
        in_specs=[half2, half2, half2, half2, half2, half2, row2,
                  col2, col2, vec2, vec2,
                  pl.BlockSpec((eblk, latent), lambda i: (i, 0)),
                  pl.BlockSpec((latent, out_g), lambda i: (0, 0)),
                  pl.BlockSpec((1, out_g), lambda i: (0, 0))],
        out_specs=[row2,
                   pl.BlockSpec((eblk, latent), lambda i: (i, 0)),
                   pl.BlockSpec((1, out_g), lambda i: (0, 0))],
        out_shape=[jax.ShapeDtypeStruct((n_acc, latent), jnp.float32),
                   jax.ShapeDtypeStruct((e4r, latent), jnp.float32),
                   jax.ShapeDtypeStruct((1, out_g), jnp.float32)],
        scratch_shapes=[pltpu.VMEM((1, latent), jnp.float32)],
    )
    h2, eout, g = f2(a100, a101, a110, a111, xs10, xs11, h1, dr0, dr1,
                     ln_scale[1].reshape(1, -1), ln_offset[1].reshape(1, -1),
                     e2d, W_dec, bd)

    return (h2[:n], eout.reshape(e, edges.shape[1]), g)

# --- scband reference (transcript-rebuilt; emitter-appended) ---
"""Pipeline reference for scband-graph-conv-net-87136296501509 (READ-ONLY COPY).

The authoritative reference and input builder live on the scoring server;
editing this copy changes nothing except your own understanding.
"""

import jax, jax.numpy as jnp
import numpy as np

N = 10000
E = 320000
D = 128
D_EDGE = 4
LATENT = 128
STEPS = 2
MLP_LAYERS = 2
OUT_G = 128


def setup_inputs(seed: int = 0):
    key = jax.random.key(seed)
    ks = jax.random.split(key, 8)
    inp = {}
    inp["nodes"] = jax.random.normal(ks[0], (N, D), dtype=jnp.float32)
    inp["edges"] = jax.random.normal(ks[1], (E, D_EDGE), dtype=jnp.float32)
    inp["globals_"] = jnp.zeros((1, LATENT), dtype=jnp.float32)
    inp["senders"] = jax.random.randint(ks[2], (E,), 0, N, dtype=jnp.int32)
    inp["receivers"] = jax.random.randint(ks[3], (E,), 0, N, dtype=jnp.int32)

    def glorot(k, shape):
        fan_in = shape[0]
        return jax.random.normal(k, shape, dtype=jnp.float32) * (1.0 / np.sqrt(fan_in))

    inp["W_embed"] = glorot(ks[4], (D, LATENT))
    inp["b_embed"] = jnp.zeros((LATENT,), dtype=jnp.float32)
    pk = jax.random.split(ks[5], STEPS * MLP_LAYERS)
    Ws = [glorot(pk[i], (LATENT, LATENT)) for i in range(STEPS * MLP_LAYERS)]
    inp["W_mlp"] = jnp.stack(Ws).reshape(STEPS, MLP_LAYERS, LATENT, LATENT)
    inp["b_mlp"] = jnp.zeros((STEPS, MLP_LAYERS, LATENT), dtype=jnp.float32)
    inp["ln_scale"] = jnp.ones((STEPS, LATENT), dtype=jnp.float32)
    inp["ln_offset"] = jnp.zeros((STEPS, LATENT), dtype=jnp.float32)
    inp["W_dec"] = glorot(ks[6], (LATENT, OUT_G))
    inp["b_dec"] = jnp.zeros((OUT_G,), dtype=jnp.float32)
    return inp


def _layer_norm(x, scale, offset, eps=1e-5):
    mean = jnp.mean(x, axis=-1, keepdims=True)
    var = jnp.var(x, axis=-1, keepdims=True)
    return (x - mean) * jax.lax.rsqrt(var + eps) * scale + offset


def _gcn_step(nodes, senders, receivers, W_list, b_list):
    # update_node_fn = concatenated_args(MLP): Linear->relu per layer (dropout_rate=0 -> identity)
    x = nodes
    for W, b in zip(W_list, b_list):
        x = jax.nn.relu(x @ W + b)
    n = x.shape[0]
    self_idx = jnp.arange(n, dtype=senders.dtype)
    conv_senders = jnp.concatenate([senders, self_idx])
    conv_receivers = jnp.concatenate([receivers, self_idx])
    ones = jnp.ones_like(conv_senders, dtype=jnp.float32)
    sender_degree = jax.ops.segment_sum(ones, conv_senders, num_segments=n)
    receiver_degree = jax.ops.segment_sum(ones, conv_receivers, num_segments=n)
    # symmetric normalization (jraph.GraphConvolution)
    x = x * jax.lax.rsqrt(jnp.maximum(sender_degree, 1.0))[:, None]
    x = jax.ops.segment_sum(x[conv_senders], conv_receivers, num_segments=n)
    x = x * jax.lax.rsqrt(jnp.maximum(receiver_degree, 1.0))[:, None]
    return x


def reference(nodes, edges, globals_, senders, receivers, W_embed, b_embed, W_mlp, b_mlp, ln_scale, ln_offset, W_dec, b_dec):
    # embedder: GraphMapFeatures(embed_node_fn=Linear(latent))
    h = nodes @ W_embed + b_embed
    e = edges
    g = globals_
    for s in range(STEPS):
        W_list = [W_mlp[s, l] for l in range(MLP_LAYERS)]
        b_list = [b_mlp[s, l] for l in range(MLP_LAYERS)]
        new_nodes = _gcn_step(h, senders, receivers, W_list, b_list)
        # skip connections: add_graphs_tuples (graph_conv preserves edges/globals)
        h = new_nodes + h
        e = e + e
        g = g + g
        # layer norm on nodes
        h = _layer_norm(h, ln_scale[s], ln_offset[s])
    # pool: segment_mean over node->graph indices (single graph)
    n_graph = 1
    seg = jnp.zeros((h.shape[0],), dtype=jnp.int32)
    summed = jax.ops.segment_sum(h, seg, num_segments=n_graph)
    counts = jax.ops.segment_sum(jnp.ones((h.shape[0],), jnp.float32), seg, num_segments=n_graph)
    pooled = summed / jnp.maximum(counts, 1.0)[:, None]
    # decoder: GraphMapFeatures(embed_global_fn=Linear(output_globals_size))
    out_globals = pooled @ W_dec + b_dec
    return (h, e, out_globals)


if False:  # reference __main__ guard neutralized (emitter)
    out = reference(**setup_inputs())
    print([o.shape for o in out])

if __name__ == "__main__":
    import jax
    _d = setup_inputs()
    print(jax.jit(kernel)(*tuple(_d.values())))

</pallas_src>

<mosaic_0001>
#map = affine_map<(d0, d1) -> (0)>
#map1 = affine_map<(d0, d1) -> (0, 0)>
module attributes {stable_mosaic.version = 14 : i64} {
  func.func @degree_k(%arg0: i32, %arg1: i32, %arg2: memref<655360xi32, #tpu.memory_space<hbm>>, %arg3: memref<2048x16xf32, #tpu.memory_space<hbm>>, %arg4: memref<20480x16xf32, #tpu.memory_space<hbm>>, %arg5: memref<20480x16xf32, #tpu.memory_space<hbm>>, %arg6: memref<20480x16xf32, #tpu.memory_space<hbm>>, %arg7: memref<2048xi32, #tpu.memory_space<vmem>>, %arg8: memref<2048x16xf32, #tpu.memory_space<vmem>>, %arg9: memref<20480x16xf32, #tpu.memory_space<vmem_shared>>) attributes {dimension_semantics = [#tpu.dimension_semantics<core_parallel>, #tpu.dimension_semantics<subcore_parallel>], iteration_bounds = array<i64: 2, 16>, scalar_prefetch = 0 : i64, scratch_operands = 3 : i64, tpu.core_type = #tpu.core_type<sc_vector_subcore>, window_params = [{transform_indices = #map}, {transform_indices = #map1}, {transform_indices = #map1}, {transform_indices = #map1}, {transform_indices = #map1}]} {
    %mul3A = arith.constant 2 : i32
    %mul3A_0 = arith.muli %arg1, %mul3A : i32
    %add3A = arith.addi %mul3A_0, %arg0 : i32
    %mul3A_1 = arith.constant 1280 : i32
    %mul3A_2 = arith.muli %arg1, %mul3A_1 : i32
    "tpu.region"() ({
      %run_scoped3A = tpu.sem_alloc : memref<!tpu.dma_semaphore, #tpu.memory_space<semaphore_mem>>
      tpu.enqueue_dma source(%arg3 : memref<2048x16xf32, #tpu.memory_space<hbm>>) target(%arg8 : memref<2048x16xf32, #tpu.memory_space<vmem>>) target_semaphore(%run_scoped3A : memref<!tpu.dma_semaphore, #tpu.memory_space<semaphore_mem>>)
      tpu.wait_dma2 semaphore(%run_scoped3A : memref<!tpu.dma_semaphore, #tpu.memory_space<semaphore_mem>>) src(%arg3 : memref<2048x16xf32, #tpu.memory_space<hbm>>) dst(%arg8 : memref<2048x16xf32, #tpu.memory_space<vmem>>)
      tpu.yield
    }) : () -> ()
    "tpu.region"() ({
      %run_scoped3A = tpu.sem_alloc : memref<!tpu.dma_semaphore, #tpu.memory_space<semaphore_mem>>
      %dma_start3A = arith.constant 0 : i32
      %dma_start3A_16 = tpu.memref_slice %arg9[%mul3A_2, %dma_start3A] : memref<20480x16xf32, #tpu.memory_space<vmem_shared>> -> memref<1280x16xf32, #tpu.memory_space<vmem_shared>>
      %dma_start3A_17 = arith.constant 0 : i32
      %dma_start3A_18 = tpu.memref_slice %arg4[%mul3A_2, %dma_start3A_17] : memref<20480x16xf32, #tpu.memory_space<hbm>> -> memref<1280x16xf32, #tpu.memory_space<hbm>>
      tpu.enqueue_dma source(%dma_start3A_18 : memref<1280x16xf32, #tpu.memory_space<hbm>>) target(%dma_start3A_16 : memref<1280x16xf32, #tpu.memory_space<vmem_shared>>) target_semaphore(%run_scoped3A : memref<!tpu.dma_semaphore, #tpu.memory_space<semaphore_mem>>)
      %dma_wait3A = arith.constant 0 : i32
      %dma_wait3A_19 = tpu.memref_slice %arg9[%mul3A_2, %dma_wait3A] : memref<20480x16xf32, #tpu.memory_space<vmem_shared>> -> memref<1280x16xf32, #tpu.memory_space<vmem_shared>>
      %dma_wait3A_20 = arith.constant 0 : i32
      %dma_wait3A_21 = tpu.memref_slice %arg4[%mul3A_2, %dma_wait3A_20] : memref<20480x16xf32, #tpu.memory_space<hbm>> -> memref<1280x16xf32, #tpu.memory_space<hbm>>
      tpu.wait_dma2 semaphore(%run_scoped3A : memref<!tpu.dma_semaphore, #tpu.memory_space<semaphore_mem>>) src(%dma_wait3A_21 : memref<1280x16xf32, #tpu.memory_space<hbm>>) dst(%dma_wait3A_19 : memref<1280x16xf32, #tpu.memory_space<vmem_shared>>)
      tpu.yield
    }) : () -> ()
    %barrier3A = arith.constant 0 : index
    tpu.barrier barrier_id(%barrier3A)
    %scan3A = arith.constant 0 : i32
    %scan3A_3 = arith.constant 0 : i32
    %scan3A_4 = arith.constant 10 : i32
    %scan3A_5 = arith.addi %scan3A_3, %scan3A_4 : i32
    %scan3A_6 = arith.constant 1 : i32
    scf.for %scan3A_16 = %scan3A_3 to %scan3A_5 step %scan3A_6  : i32 {
      %mul3A_17 = arith.constant 20480 : i32
      %mul3A_18 = arith.muli %add3A, %mul3A_17 : i32
      %mul3A_19 = arith.constant 2048 : i32
      %mul3A_20 = arith.muli %scan3A_16, %mul3A_19 : i32
      %add3A_21 = arith.addi %mul3A_18, %mul3A_20 : i32
      "tpu.region"() ({
        %run_scoped3A = tpu.sem_alloc : memref<!tpu.dma_semaphore, #tpu.memory_space<semaphore_mem>>
        %dma_start3A = tpu.memref_slice %arg2[%add3A_21] : memref<655360xi32, #tpu.memory_space<hbm>> -> memref<2048xi32, #tpu.memory_space<hbm>>
        %dma_start3A_22 = tpu.memref_slice %arg2[%add3A_21] : memref<655360xi32, #tpu.memory_space<hbm>> -> memref<2048xi32, #tpu.memory_space<hbm>>
        tpu.enqueue_dma source(%dma_start3A_22 : memref<2048xi32, #tpu.memory_space<hbm>>) target(%arg7 : memref<2048xi32, #tpu.memory_space<vmem>>) target_semaphore(%run_scoped3A : memref<!tpu.dma_semaphore, #tpu.memory_space<semaphore_mem>>)
        %dma_wait3A = tpu.memref_slice %arg2[%add3A_21] : memref<655360xi32, #tpu.memory_space<hbm>> -> memref<2048xi32, #tpu.memory_space<hbm>>
        %dma_wait3A_23 = tpu.memref_slice %arg2[%add3A_21] : memref<655360xi32, #tpu.memory_space<hbm>> -> memref<2048xi32, #tpu.memory_space<hbm>>
        tpu.wait_dma2 semaphore(%run_scoped3A : memref<!tpu.dma_semaphore, #tpu.memory_space<semaphore_mem>>) src(%dma_wait3A_23 : memref<2048xi32, #tpu.memory_space<hbm>>) dst(%arg7 : memref<2048xi32, #tpu.memory_space<vmem>>)
        tpu.yield
      }) : () -> ()
      "tpu.region"() ({
        %run_scoped3A = tpu.sem_alloc : memref<!tpu.dma_semaphore, #tpu.memory_space<semaphore_mem>>
        %dma_start3A = arith.constant 0 : i32
        %dma_start3A_22 = arith.constant 0 : i32
        %dma_start3A_23 = tpu.memref_slice %arg9[%dma_start3A, %dma_start3A_22] : memref<20480x16xf32, #tpu.memory_space<vmem_shared>> -> memref<20480x16xf32, #tpu.memory_space<vmem_shared>>
        tpu.enqueue_indirect_dma source(%arg8 : memref<2048x16xf32, #tpu.memory_space<vmem>>) target(%dma_start3A_23 : memref<20480x16xf32, #tpu.memory_space<vmem_shared>>) offsets(%arg7 : memref<2048xi32, #tpu.memory_space<vmem>>) semaphore(%run_scoped3A : memref<!tpu.dma_semaphore, #tpu.memory_space<semaphore_mem>>) {add = true}
        %dma_wait3A = arith.constant 0 : i32
        %dma_wait3A_24 = arith.constant 0 : i32
        %dma_wait3A_25 = tpu.memref_slice %arg9[%dma_wait3A, %dma_wait3A_24] : memref<20480x16xf32, #tpu.memory_space<vmem_shared>> -> memref<20480x16xf32, #tpu.memory_space<vmem_shared>>
        tpu.wait_indirect_dma semaphore(%run_scoped3A : memref<!tpu.dma_semaphore, #tpu.memory_space<semaphore_mem>>) src(%arg8 : memref<2048x16xf32, #tpu.memory_space<vmem>>) dst(%dma_wait3A_25 : memref<20480x16xf32, #tpu.memory_space<vmem_shared>>)
        tpu.yield
      }) : () -> ()
    }
    %scan3A_7 = arith.constant 10 : i32
    %barrier3A_8 = arith.constant 0 : index
    tpu.barrier barrier_id(%barrier3A_8)
    %eq3A = arith.constant 0 : i32
    %eq3A_9 = arith.cmpi eq, %arg0, %eq3A : i32
    %convert_element_type3A = arith.extui %eq3A_9 : i1 to i32
    %cond3A = arith.constant 0 : i32
    %cond3A_10 = arith.cmpi ne, %convert_element_type3A, %cond3A : i32
    scf.if %cond3A_10 {
      "tpu.region"() ({
        %run_scoped3A = tpu.sem_alloc : memref<!tpu.dma_semaphore, #tpu.memory_space<semaphore_mem>>
        %dma_start3A = arith.constant 0 : i32
        %dma_start3A_16 = tpu.memref_slice %arg5[%mul3A_2, %dma_start3A] : memref<20480x16xf32, #tpu.memory_space<hbm>> -> memref<1280x16xf32, #tpu.memory_space<hbm>>
        %dma_start3A_17 = arith.constant 0 : i32
        %dma_start3A_18 = tpu.memref_slice %arg9[%mul3A_2, %dma_start3A_17] : memref<20480x16xf32, #tpu.memory_space<vmem_shared>> -> memref<1280x16xf32, #tpu.memory_space<vmem_shared>>
        tpu.enqueue_dma source(%dma_start3A_18 : memref<1280x16xf32, #tpu.memory_space<vmem_shared>>) target(%dma_start3A_16 : memref<1280x16xf32, #tpu.memory_space<hbm>>) target_semaphore(%run_scoped3A : memref<!tpu.dma_semaphore, #tpu.memory_space<semaphore_mem>>)
        %dma_wait3A = arith.constant 0 : i32
        %dma_wait3A_19 = tpu.memref_slice %arg5[%mul3A_2, %dma_wait3A] : memref<20480x16xf32, #tpu.memory_space<hbm>> -> memref<1280x16xf32, #tpu.memory_space<hbm>>
        %dma_wait3A_20 = arith.constant 0 : i32
        %dma_wait3A_21 = tpu.memref_slice %arg9[%mul3A_2, %dma_wait3A_20] : memref<20480x16xf32, #tpu.memory_space<vmem_shared>> -> memref<1280x16xf32, #tpu.memory_space<vmem_shared>>
        tpu.wait_dma2 semaphore(%run_scoped3A : memref<!tpu.dma_semaphore, #tpu.memory_space<semaphore_mem>>) src(%dma_wait3A_21 : memref<1280x16xf32, #tpu.memory_space<vmem_shared>>) dst(%dma_wait3A_19 : memref<1280x16xf32, #tpu.memory_space<hbm>>)
        tpu.yield
      }) : () -> ()
    } else {
    }
    %eq3A_11 = arith.constant 1 : i32
    %eq3A_12 = arith.cmpi eq, %arg0, %eq3A_11 : i32
    %convert_element_type3A_13 = arith.extui %eq3A_12 : i1 to i32
    %cond3A_14 = arith.constant 0 : i32
    %cond3A_15 = arith.cmpi ne, %convert_element_type3A_13, %cond3A_14 : i32
    scf.if %cond3A_15 {
      "tpu.region"() ({
        %run_scoped3A = tpu.sem_alloc : memref<!tpu.dma_semaphore, #tpu.memory_space<semaphore_mem>>
        %dma_start3A = arith.constant 0 : i32
        %dma_start3A_16 = tpu.memref_slice %arg6[%mul3A_2, %dma_start3A] : memref<20480x16xf32, #tpu.memory_space<hbm>> -> memref<1280x16xf32, #tpu.memory_space<hbm>>
        %dma_start3A_17 = arith.constant 0 : i32
        %dma_start3A_18 = tpu.memref_slice %arg9[%mul3A_2, %dma_start3A_17] : memref<20480x16xf32, #tpu.memory_space<vmem_shared>> -> memref<1280x16xf32, #tpu.memory_space<vmem_shared>>
        tpu.enqueue_dma source(%dma_start3A_18 : memref<1280x16xf32, #tpu.memory_space<vmem_shared>>) target(%dma_start3A_16 : memref<1280x16xf32, #tpu.memory_space<hbm>>) target_semaphore(%run_scoped3A : memref<!tpu.dma_semaphore, #tpu.memory_space<semaphore_mem>>)
        %dma_wait3A = arith.constant 0 : i32
        %dma_wait3A_19 = tpu.memref_slice %arg6[%mul3A_2, %dma_wait3A] : memref<20480x16xf32, #tpu.memory_space<hbm>> -> memref<1280x16xf32, #tpu.memory_space<hbm>>
        %dma_wait3A_20 = arith.constant 0 : i32
        %dma_wait3A_21 = tpu.memref_slice %arg9[%mul3A_2, %dma_wait3A_20] : memref<20480x16xf32, #tpu.memory_space<vmem_shared>> -> memref<1280x16xf32, #tpu.memory_space<vmem_shared>>
        tpu.wait_dma2 semaphore(%run_scoped3A : memref<!tpu.dma_semaphore, #tpu.memory_space<semaphore_mem>>) src(%dma_wait3A_21 : memref<1280x16xf32, #tpu.memory_space<vmem_shared>>) dst(%dma_wait3A_19 : memref<1280x16xf32, #tpu.memory_space<hbm>>)
        tpu.yield
      }) : () -> ()
    } else {
    }
    return
  }
}

#map = affine_map<(d0, d1) -> (0, 0)>
#map1 = affine_map<(d0, d1) -> (0)>
module attributes {stable_mosaic.version = 14 : i64} {
  func.func @scatter_k(%arg0: i32, %arg1: i32, %arg2: memref<10240x64xf32, #tpu.memory_space<hbm>>, %arg3: memref<10240x64xf32, #tpu.memory_space<hbm>>, %arg4: memref<327680xi32, #tpu.memory_space<hbm>>, %arg5: memref<327680xi32, #tpu.memory_space<hbm>>, %arg6: memref<10240x64xf32, #tpu.memory_space<hbm>>, %arg7: memref<10240x64xf32, #tpu.memory_space<hbm>>, %arg8: memref<10240x64xf32, #tpu.memory_space<hbm>>, %arg9: memref<10240x64xf32, #tpu.memory_space<hbm>>, %arg10: memref<10240x64xf32, #tpu.memory_space<hbm>>, %arg11: memref<640xi32, #tpu.memory_space<vmem>>, %arg12: memref<640xi32, #tpu.memory_space<vmem>>, %arg13: memref<640x64xf32, #tpu.memory_space<vmem>>, %arg14: memref<10240x64xf32, #tpu.memory_space<vmem_shared>>, %arg15: memref<10240x64xf32, #tpu.memory_space<vmem_shared>>) attributes {dimension_semantics = [#tpu.dimension_semantics<core_parallel>, #tpu.dimension_semantics<subcore_parallel>], iteration_bounds = array<i64: 2, 16>, scalar_prefetch = 0 : i64, scratch_operands = 5 : i64, tpu.core_type = #tpu.core_type<sc_vector_subcore>, window_params = [{transform_indices = #map}, {transform_indices = #map}, {transform_indices = #map1}, {transform_indices = #map1}, {transform_indices = #map}, {transform_indices = #map}, {transform_indices = #map}, {transform_indices = #map}, {transform_indices = #map}]} {
    %mul3A = arith.constant 2 : i32
    %mul3A_0 = arith.muli %arg1, %mul3A : i32
    %add3A = arith.addi %mul3A_0, %arg0 : i32
    %mul3A_1 = arith.constant 640 : i32
    %mul3A_2 = arith.muli %arg1, %mul3A_1 : i32
    "tpu.region"() ({
      %run_scoped3A = tpu.sem_alloc : memref<!tpu.dma_semaphore, #tpu.memory_space<semaphore_mem>>
      %dma_start3A = arith.constant 0 : i32
      %dma_start3A_36 = tpu.memref_slice %arg14[%mul3A_2, %dma_start3A] : memref<10240x64xf32, #tpu.memory_space<vmem_shared>> -> memref<640x64xf32, #tpu.memory_space<vmem_shared>>
      %dma_start3A_37 = arith.constant 0 : i32
      %dma_start3A_38 = tpu.memref_slice %arg2[%mul3A_2, %dma_start3A_37] : memref<10240x64xf32, #tpu.memory_space<hbm>> -> memref<640x64xf32, #tpu.memory_space<hbm>>
      tpu.enqueue_dma source(%dma_start3A_38 : memref<640x64xf32, #tpu.memory_space<hbm>>) target(%dma_start3A_36 : memref<640x64xf32, #tpu.memory_space<vmem_shared>>) target_semaphore(%run_scoped3A : memref<!tpu.dma_semaphore, #tpu.memory_space<semaphore_mem>>)
      %dma_wait3A = arith.constant 0 : i32
      %dma_wait3A_39 = tpu.memref_slice %arg14[%mul3A_2, %dma_wait3A] : memref<10240x64xf32, #tpu.memory_space<vmem_shared>> -> memref<640x64xf32, #tpu.memory_space<vmem_shared>>
      %dma_wait3A_40 = arith.constant 0 : i32
      %dma_wait3A_41 = tpu.memref_slice %arg2[%mul3A_2, %dma_wait3A_40] : memref<10240x64xf32, #tpu.memory_space<hbm>> -> memref<640x64xf32, #tpu.memory_space<hbm>>
      tpu.wait_dma2 semaphore(%run_scoped3A : memref<!tpu.dma_semaphore, #tpu.memory_space<semaphore_mem>>) src(%dma_wait3A_41 : memref<640x64xf32, #tpu.memory_space<hbm>>) dst(%dma_wait3A_39 : memref<640x64xf32, #tpu.memory_space<vmem_shared>>)
      tpu.yield
    }) : () -> ()
    "tpu.region"() ({
      %run_scoped3A = tpu.sem_alloc : memref<!tpu.dma_semaphore, #tpu.memory_space<semaphore_mem>>
      %dma_start3A = arith.constant 0 : i32
      %dma_start3A_36 = tpu.memref_slice %arg15[%mul3A_2, %dma_start3A] : memref<10240x64xf32, #tpu.memory_space<vmem_shared>> -> memref<640x64xf32, #tpu.memory_space<vmem_shared>>
      %dma_start3A_37 = arith.constant 0 : i32
      %dma_start3A_38 = tpu.memref_slice %arg6[%mul3A_2, %dma_start3A_37] : memref<10240x64xf32, #tpu.memory_space<hbm>> -> memref<640x64xf32, #tpu.memory_space<hbm>>
      tpu.enqueue_dma source(%dma_start3A_38 : memref<640x64xf32, #tpu.memory_space<hbm>>) target(%dma_start3A_36 : memref<640x64xf32, #tpu.memory_space<vmem_shared>>) target_semaphore(%run_scoped3A : memref<!tpu.dma_semaphore, #tpu.memory_space<semaphore_mem>>)
      %dma_wait3A = arith.constant 0 : i32
      %dma_wait3A_39 = tpu.memref_slice %arg15[%mul3A_2, %dma_wait3A] : memref<10240x64xf32, #tpu.memory_space<vmem_shared>> -> memref<640x64xf32, #tpu.memory_space<vmem_shared>>
      %dma_wait3A_40 = arith.constant 0 : i32
      %dma_wait3A_41 = tpu.memref_slice %arg6[%mul3A_2, %dma_wait3A_40] : memref<10240x64xf32, #tpu.memory_space<hbm>> -> memref<640x64xf32, #tpu.memory_space<hbm>>
      tpu.wait_dma2 semaphore(%run_scoped3A : memref<!tpu.dma_semaphore, #tpu.memory_space<semaphore_mem>>) src(%dma_wait3A_41 : memref<640x64xf32, #tpu.memory_space<hbm>>) dst(%dma_wait3A_39 : memref<640x64xf32, #tpu.memory_space<vmem_shared>>)
      tpu.yield
    }) : () -> ()
    %barrier3A = arith.constant 0 : index
    tpu.barrier barrier_id(%barrier3A)
    %scan3A = arith.constant 0 : i32
    %scan3A_3 = arith.constant 0 : i32
    %scan3A_4 = arith.constant 16 : i32
    %scan3A_5 = arith.addi %scan3A_3, %scan3A_4 : i32
    %scan3A_6 = arith.constant 1 : i32
    scf.for %scan3A_36 = %scan3A_3 to %scan3A_5 step %scan3A_6  : i32 {
      %mul3A_37 = arith.constant 10240 : i32
      %mul3A_38 = arith.muli %add3A, %mul3A_37 : i32
      %mul3A_39 = arith.constant 640 : i32
      %mul3A_40 = arith.muli %scan3A_36, %mul3A_39 : i32
      %add3A_41 = arith.addi %mul3A_38, %mul3A_40 : i32
      "tpu.region"() ({
        %run_scoped3A = tpu.sem_alloc : memref<!tpu.dma_semaphore, #tpu.memory_space<semaphore_mem>>
        %dma_start3A = tpu.memref_slice %arg4[%add3A_41] : memref<327680xi32, #tpu.memory_space<hbm>> -> memref<640xi32, #tpu.memory_space<hbm>>
        %dma_start3A_42 = tpu.memref_slice %arg4[%add3A_41] : memref<327680xi32, #tpu.memory_space<hbm>> -> memref<640xi32, #tpu.memory_space<hbm>>
        tpu.enqueue_dma source(%dma_start3A_42 : memref<640xi32, #tpu.memory_space<hbm>>) target(%arg11 : memref<640xi32, #tpu.memory_space<vmem>>) target_semaphore(%run_scoped3A : memref<!tpu.dma_semaphore, #tpu.memory_space<semaphore_mem>>)
        %dma_wait3A = tpu.memref_slice %arg4[%add3A_41] : memref<327680xi32, #tpu.memory_space<hbm>> -> memref<640xi32, #tpu.memory_space<hbm>>
        %dma_wait3A_43 = tpu.memref_slice %arg4[%add3A_41] : memref<327680xi32, #tpu.memory_space<hbm>> -> memref<640xi32, #tpu.memory_space<hbm>>
        tpu.wait_dma2 semaphore(%run_scoped3A : memref<!tpu.dma_semaphore, #tpu.memory_space<semaphore_mem>>) src(%dma_wait3A_43 : memref<640xi32, #tpu.memory_space<hbm>>) dst(%arg11 : memref<640xi32, #tpu.memory_space<vmem>>)
        tpu.yield
      }) : () -> ()
      "tpu.region"() ({
        %run_scoped3A = tpu.sem_alloc : memref<!tpu.dma_semaphore, #tpu.memory_space<semaphore_mem>>
        %dma_start3A = tpu.memref_slice %arg5[%add3A_41] : memref<327680xi32, #tpu.memory_space<hbm>> -> memref<640xi32, #tpu.memory_space<hbm>>
        %dma_start3A_42 = tpu.memref_slice %arg5[%add3A_41] : memref<327680xi32, #tpu.memory_space<hbm>> -> memref<640xi32, #tpu.memory_space<hbm>>
        tpu.enqueue_dma source(%dma_start3A_42 : memref<640xi32, #tpu.memory_space<hbm>>) target(%arg12 : memref<640xi32, #tpu.memory_space<vmem>>) target_semaphore(%run_scoped3A : memref<!tpu.dma_semaphore, #tpu.memory_space<semaphore_mem>>)
        %dma_wait3A = tpu.memref_slice %arg5[%add3A_41] : memref<327680xi32, #tpu.memory_space<hbm>> -> memref<640xi32, #tpu.memory_space<hbm>>
        %dma_wait3A_43 = tpu.memref_slice %arg5[%add3A_41] : memref<327680xi32, #tpu.memory_space<hbm>> -> memref<640xi32, #tpu.memory_space<hbm>>
        tpu.wait_dma2 semaphore(%run_scoped3A : memref<!tpu.dma_semaphore, #tpu.memory_space<semaphore_mem>>) src(%dma_wait3A_43 : memref<640xi32, #tpu.memory_space<hbm>>) dst(%arg12 : memref<640xi32, #tpu.memory_space<vmem>>)
        tpu.yield
      }) : () -> ()
      "tpu.region"() ({
        %run_scoped3A = tpu.sem_alloc : memref<!tpu.dma_semaphore, #tpu.memory_space<semaphore_mem>>
        %dma_start3A = arith.constant 0 : i32
        %dma_start3A_42 = arith.constant 0 : i32
        %dma_start3A_43 = tpu.memref_slice %arg14[%dma_start3A, %dma_start3A_42] : memref<10240x64xf32, #tpu.memory_space<vmem_shared>> -> memref<10240x64xf32, #tpu.memory_space<vmem_shared>>
        tpu.enqueue_indirect_dma source(%dma_start3A_43 : memref<10240x64xf32, #tpu.memory_space<vmem_shared>>) target(%arg13 : memref<640x64xf32, #tpu.memory_space<vmem>>) offsets(%arg11 : memref<640xi32, #tpu.memory_space<vmem>>) semaphore(%run_scoped3A : memref<!tpu.dma_semaphore, #tpu.memory_space<semaphore_mem>>)
        %dma_wait3A = arith.constant 0 : i32
        %dma_wait3A_44 = arith.constant 0 : i32
        %dma_wait3A_45 = tpu.memref_slice %arg14[%dma_wait3A, %dma_wait3A_44] : memref<10240x64xf32, #tpu.memory_space<vmem_shared>> -> memref<10240x64xf32, #tpu.memory_space<vmem_shared>>
        tpu.wait_indirect_dma semaphore(%run_scoped3A : memref<!tpu.dma_semaphore, #tpu.memory_space<semaphore_mem>>) src(%dma_wait3A_45 : memref<10240x64xf32, #tpu.memory_space<vmem_shared>>) dst(%arg13 : memref<640x64xf32, #tpu.memory_space<vmem>>)
        tpu.yield
      }) : () -> ()
      "tpu.region"() ({
        %run_scoped3A = tpu.sem_alloc : memref<!tpu.dma_semaphore, #tpu.memory_space<semaphore_mem>>
        %dma_start3A = arith.constant 0 : i32
        %dma_start3A_42 = arith.constant 0 : i32
        %dma_start3A_43 = tpu.memref_slice %arg15[%dma_start3A, %dma_start3A_42] : memref<10240x64xf32, #tpu.memory_space<vmem_shared>> -> memref<10240x64xf32, #tpu.memory_space<vmem_shared>>
        tpu.enqueue_indirect_dma source(%arg13 : memref<640x64xf32, #tpu.memory_space<vmem>>) target(%dma_start3A_43 : memref<10240x64xf32, #tpu.memory_space<vmem_shared>>) offsets(%arg12 : memref<640xi32, #tpu.memory_space<vmem>>) semaphore(%run_scoped3A : memref<!tpu.dma_semaphore, #tpu.memory_space<semaphore_mem>>) {add = true}
        %dma_wait3A = arith.constant 0 : i32
        %dma_wait3A_44 = arith.constant 0 : i32
        %dma_wait3A_45 = tpu.memref_slice %arg15[%dma_wait3A, %dma_wait3A_44] : memref<10240x64xf32, #tpu.memory_space<vmem_shared>> -> memref<10240x64xf32, #tpu.memory_space<vmem_shared>>
        tpu.wait_indirect_dma semaphore(%run_scoped3A : memref<!tpu.dma_semaphore, #tpu.memory_space<semaphore_mem>>) src(%arg13 : memref<640x64xf32, #tpu.memory_space<vmem>>) dst(%dma_wait3A_45 : memref<10240x64xf32, #tpu.memory_space<vmem_shared>>)
        tpu.yield
      }) : () -> ()
    }
    %scan3A_7 = arith.constant 16 : i32
    %barrier3A_8 = arith.constant 0 : index
    tpu.barrier barrier_id(%barrier3A_8)
    %eq3A = arith.constant 0 : i32
    %eq3A_9 = arith.cmpi eq, %arg0, %eq3A : i32
    %convert_element_type3A = arith.extui %eq3A_9 : i1 to i32
    %cond3A = arith.constant 0 : i32
    %cond3A_10 = arith.cmpi ne, %convert_element_type3A, %cond3A : i32
    scf.if %cond3A_10 {
      "tpu.region"() ({
        %run_scoped3A = tpu.sem_alloc : memref<!tpu.dma_semaphore, #tpu.memory_space<semaphore_mem>>
        %dma_start3A = arith.constant 0 : i32
        %dma_start3A_36 = tpu.memref_slice %arg7[%mul3A_2, %dma_start3A] : memref<10240x64xf32, #tpu.memory_space<hbm>> -> memref<640x64xf32, #tpu.memory_space<hbm>>
        %dma_start3A_37 = arith.constant 0 : i32
        %dma_start3A_38 = tpu.memref_slice %arg15[%mul3A_2, %dma_start3A_37] : memref<10240x64xf32, #tpu.memory_space<vmem_shared>> -> memref<640x64xf32, #tpu.memory_space<vmem_shared>>
        tpu.enqueue_dma source(%dma_start3A_38 : memref<640x64xf32, #tpu.memory_space<vmem_shared>>) target(%dma_start3A_36 : memref<640x64xf32, #tpu.memory_space<hbm>>) target_semaphore(%run_scoped3A : memref<!tpu.dma_semaphore, #tpu.memory_space<semaphore_mem>>)
        %dma_wait3A = arith.constant 0 : i32
        %dma_wait3A_39 = tpu.memref_slice %arg7[%mul3A_2, %dma_wait3A] : memref<10240x64xf32, #tpu.memory_space<hbm>> -> memref<640x64xf32, #tpu.memory_space<hbm>>
        %dma_wait3A_40 = arith.constant 0 : i32
        %dma_wait3A_41 = tpu.memref_slice %arg15[%mul3A_2, %dma_wait3A_40] : memref<10240x64xf32, #tpu.memory_space<vmem_shared>> -> memref<640x64xf32, #tpu.memory_space<vmem_shared>>
        tpu.wait_dma2 semaphore(%run_scoped3A : memref<!tpu.dma_semaphore, #tpu.memory_space<semaphore_mem>>) src(%dma_wait3A_41 : memref<640x64xf32, #tpu.memory_space<vmem_shared>>) dst(%dma_wait3A_39 : memref<640x64xf32, #tpu.memory_space<hbm>>)
        tpu.yield
      }) : () -> ()
    } else {
    }
    %eq3A_11 = arith.constant 1 : i32
    %eq3A_12 = arith.cmpi eq, %arg0, %eq3A_11 : i32
    %convert_element_type3A_13 = arith.extui %eq3A_12 : i1 to i32
    %cond3A_14 = arith.constant 0 : i32
    %cond3A_15 = arith.cmpi ne, %convert_element_type3A_13, %cond3A_14 : i32
    scf.if %cond3A_15 {
      "tpu.region"() ({
        %run_scoped3A = tpu.sem_alloc : memref<!tpu.dma_semaphore, #tpu.memory_space<semaphore_mem>>
        %dma_start3A = arith.constant 0 : i32
        %dma_start3A_36 = tpu.memref_slice %arg8[%mul3A_2, %dma_start3A] : memref<10240x64xf32, #tpu.memory_space<hbm>> -> memref<640x64xf32, #tpu.memory_space<hbm>>
        %dma_start3A_37 = arith.constant 0 : i32
        %dma_start3A_38 = tpu.memref_slice %arg15[%mul3A_2, %dma_start3A_37] : memref<10240x64xf32, #tpu.memory_space<vmem_shared>> -> memref<640x64xf32, #tpu.memory_space<vmem_shared>>
        tpu.enqueue_dma source(%dma_start3A_38 : memref<640x64xf32, #tpu.memory_space<vmem_shared>>) target(%dma_start3A_36 : memref<640x64xf32, #tpu.memory_space<hbm>>) target_semaphore(%run_scoped3A : memref<!tpu.dma_semaphore, #tpu.memory_space<semaphore_mem>>)
        %dma_wait3A = arith.constant 0 : i32
        %dma_wait3A_39 = tpu.memref_slice %arg8[%mul3A_2, %dma_wait3A] : memref<10240x64xf32, #tpu.memory_space<hbm>> -> memref<640x64xf32, #tpu.memory_space<hbm>>
        %dma_wait3A_40 = arith.constant 0 : i32
        %dma_wait3A_41 = tpu.memref_slice %arg15[%mul3A_2, %dma_wait3A_40] : memref<10240x64xf32, #tpu.memory_space<vmem_shared>> -> memref<640x64xf32, #tpu.memory_space<vmem_shared>>
        tpu.wait_dma2 semaphore(%run_scoped3A : memref<!tpu.dma_semaphore, #tpu.memory_space<semaphore_mem>>) src(%dma_wait3A_41 : memref<640x64xf32, #tpu.memory_space<vmem_shared>>) dst(%dma_wait3A_39 : memref<640x64xf32, #tpu.memory_space<hbm>>)
        tpu.yield
      }) : () -> ()
    } else {
    }
    %barrier3A_16 = arith.constant 0 : index
    tpu.barrier barrier_id(%barrier3A_16)
    "tpu.region"() ({
      %run_scoped3A = tpu.sem_alloc : memref<!tpu.dma_semaphore, #tpu.memory_space<semaphore_mem>>
      %dma_start3A = arith.constant 0 : i32
      %dma_start3A_36 = tpu.memref_slice %arg14[%mul3A_2, %dma_start3A] : memref<10240x64xf32, #tpu.memory_space<vmem_shared>> -> memref<640x64xf32, #tpu.memory_space<vmem_shared>>
      %dma_start3A_37 = arith.constant 0 : i32
      %dma_start3A_38 = tpu.memref_slice %arg3[%mul3A_2, %dma_start3A_37] : memref<10240x64xf32, #tpu.memory_space<hbm>> -> memref<640x64xf32, #tpu.memory_space<hbm>>
      tpu.enqueue_dma source(%dma_start3A_38 : memref<640x64xf32, #tpu.memory_space<hbm>>) target(%dma_start3A_36 : memref<640x64xf32, #tpu.memory_space<vmem_shared>>) target_semaphore(%run_scoped3A : memref<!tpu.dma_semaphore, #tpu.memory_space<semaphore_mem>>)
      %dma_wait3A = arith.constant 0 : i32
      %dma_wait3A_39 = tpu.memref_slice %arg14[%mul3A_2, %dma_wait3A] : memref<10240x64xf32, #tpu.memory_space<vmem_shared>> -> memref<640x64xf32, #tpu.memory_space<vmem_shared>>
      %dma_wait3A_40 = arith.constant 0 : i32
      %dma_wait3A_41 = tpu.memref_slice %arg3[%mul3A_2, %dma_wait3A_40] : memref<10240x64xf32, #tpu.memory_space<hbm>> -> memref<640x64xf32, #tpu.memory_space<hbm>>
      tpu.wait_dma2 semaphore(%run_scoped3A : memref<!tpu.dma_semaphore, #tpu.memory_space<semaphore_mem>>) src(%dma_wait3A_41 : memref<640x64xf32, #tpu.memory_space<hbm>>) dst(%dma_wait3A_39 : memref<640x64xf32, #tpu.memory_space<vmem_shared>>)
      tpu.yield
    }) : () -> ()
    "tpu.region"() ({
      %run_scoped3A = tpu.sem_alloc : memref<!tpu.dma_semaphore, #tpu.memory_space<semaphore_mem>>
      %dma_start3A = arith.constant 0 : i32
      %dma_start3A_36 = tpu.memref_slice %arg15[%mul3A_2, %dma_start3A] : memref<10240x64xf32, #tpu.memory_space<vmem_shared>> -> memref<640x64xf32, #tpu.memory_space<vmem_shared>>
      %dma_start3A_37 = arith.constant 0 : i32
      %dma_start3A_38 = tpu.memref_slice %arg6[%mul3A_2, %dma_start3A_37] : memref<10240x64xf32, #tpu.memory_space<hbm>> -> memref<640x64xf32, #tpu.memory_space<hbm>>
      tpu.enqueue_dma source(%dma_start3A_38 : memref<640x64xf32, #tpu.memory_space<hbm>>) target(%dma_start3A_36 : memref<640x64xf32, #tpu.memory_space<vmem_shared>>) target_semaphore(%run_scoped3A : memref<!tpu.dma_semaphore, #tpu.memory_space<semaphore_mem>>)
      %dma_wait3A = arith.constant 0 : i32
      %dma_wait3A_39 = tpu.memref_slice %arg15[%mul3A_2, %dma_wait3A] : memref<10240x64xf32, #tpu.memory_space<vmem_shared>> -> memref<640x64xf32, #tpu.memory_space<vmem_shared>>
      %dma_wait3A_40 = arith.constant 0 : i32
      %dma_wait3A_41 = tpu.memref_slice %arg6[%mul3A_2, %dma_wait3A_40] : memref<10240x64xf32, #tpu.memory_space<hbm>> -> memref<640x64xf32, #tpu.memory_space<hbm>>
      tpu.wait_dma2 semaphore(%run_scoped3A : memref<!tpu.dma_semaphore, #tpu.memory_space<semaphore_mem>>) src(%dma_wait3A_41 : memref<640x64xf32, #tpu.memory_space<hbm>>) dst(%dma_wait3A_39 : memref<640x64xf32, #tpu.memory_space<vmem_shared>>)
      tpu.yield
    }) : () -> ()
    %barrier3A_17 = arith.constant 0 : index
    tpu.barrier barrier_id(%barrier3A_17)
    %scan3A_18 = arith.constant 0 : i32
    %scan3A_19 = arith.constant 0 : i32
    %scan3A_20 = arith.constant 16 : i32
    %scan3A_21 = arith.addi %scan3A_19, %scan3A_20 : i32
    %scan3A_22 = arith.constant 1 : i32
    scf.for %scan3A_36 = %scan3A_19 to %scan3A_21 step %scan3A_22  : i32 {
      %mul3A_37 = arith.constant 10240 : i32
      %mul3A_38 = arith.muli %add3A, %mul3A_37 : i32
      %mul3A_39 = arith.constant 640 : i32
      %mul3A_40 = arith.muli %scan3A_36, %mul3A_39 : i32
      %add3A_41 = arith.addi %mul3A_38, %mul3A_40 : i32
      "tpu.region"() ({
        %run_scoped3A = tpu.sem_alloc : memref<!tpu.dma_semaphore, #tpu.memory_space<semaphore_mem>>
        %dma_start3A = tpu.memref_slice %arg4[%add3A_41] : memref<327680xi32, #tpu.memory_space<hbm>> -> memref<640xi32, #tpu.memory_space<hbm>>
        %dma_start3A_42 = tpu.memref_slice %arg4[%add3A_41] : memref<327680xi32, #tpu.memory_space<hbm>> -> memref<640xi32, #tpu.memory_space<hbm>>
        tpu.enqueue_dma source(%dma_start3A_42 : memref<640xi32, #tpu.memory_space<hbm>>) target(%arg11 : memref<640xi32, #tpu.memory_space<vmem>>) target_semaphore(%run_scoped3A : memref<!tpu.dma_semaphore, #tpu.memory_space<semaphore_mem>>)
        %dma_wait3A = tpu.memref_slice %arg4[%add3A_41] : memref<327680xi32, #tpu.memory_space<hbm>> -> memref<640xi32, #tpu.memory_space<hbm>>
        %dma_wait3A_43 = tpu.memref_slice %arg4[%add3A_41] : memref<327680xi32, #tpu.memory_space<hbm>> -> memref<640xi32, #tpu.memory_space<hbm>>
        tpu.wait_dma2 semaphore(%run_scoped3A : memref<!tpu.dma_semaphore, #tpu.memory_space<semaphore_mem>>) src(%dma_wait3A_43 : memref<640xi32, #tpu.memory_space<hbm>>) dst(%arg11 : memref<640xi32, #tpu.memory_space<vmem>>)
        tpu.yield
      }) : () -> ()
      "tpu.region"() ({
        %run_scoped3A = tpu.sem_alloc : memref<!tpu.dma_semaphore, #tpu.memory_space<semaphore_mem>>
        %dma_start3A = tpu.memref_slice %arg5[%add3A_41] : memref<327680xi32, #tpu.memory_space<hbm>> -> memref<640xi32, #tpu.memory_space<hbm>>
        %dma_start3A_42 = tpu.memref_slice %arg5[%add3A_41] : memref<327680xi32, #tpu.memory_space<hbm>> -> memref<640xi32, #tpu.memory_space<hbm>>
        tpu.enqueue_dma source(%dma_start3A_42 : memref<640xi32, #tpu.memory_space<hbm>>) target(%arg12 : memref<640xi32, #tpu.memory_space<vmem>>) target_semaphore(%run_scoped3A : memref<!tpu.dma_semaphore, #tpu.memory_space<semaphore_mem>>)
        %dma_wait3A = tpu.memref_slice %arg5[%add3A_41] : memref<327680xi32, #tpu.memory_space<hbm>> -> memref<640xi32, #tpu.memory_space<hbm>>
        %dma_wait3A_43 = tpu.memref_slice %arg5[%add3A_41] : memref<327680xi32, #tpu.memory_space<hbm>> -> memref<640xi32, #tpu.memory_space<hbm>>
        tpu.wait_dma2 semaphore(%run_scoped3A : memref<!tpu.dma_semaphore, #tpu.memory_space<semaphore_mem>>) src(%dma_wait3A_43 : memref<640xi32, #tpu.memory_space<hbm>>) dst(%arg12 : memref<640xi32, #tpu.memory_space<vmem>>)
        tpu.yield
      }) : () -> ()
      "tpu.region"() ({
        %run_scoped3A = tpu.sem_alloc : memref<!tpu.dma_semaphore, #tpu.memory_space<semaphore_mem>>
        %dma_start3A = arith.constant 0 : i32
        %dma_start3A_42 = arith.constant 0 : i32
        %dma_start3A_43 = tpu.memref_slice %arg14[%dma_start3A, %dma_start3A_42] : memref<10240x64xf32, #tpu.memory_space<vmem_shared>> -> memref<10240x64xf32, #tpu.memory_space<vmem_shared>>
        tpu.enqueue_indirect_dma source(%dma_start3A_43 : memref<10240x64xf32, #tpu.memory_space<vmem_shared>>) target(%arg13 : memref<640x64xf32, #tpu.memory_space<vmem>>) offsets(%arg11 : memref<640xi32, #tpu.memory_space<vmem>>) semaphore(%run_scoped3A : memref<!tpu.dma_semaphore, #tpu.memory_space<semaphore_mem>>)
        %dma_wait3A = arith.constant 0 : i32
        %dma_wait3A_44 = arith.constant 0 : i32
        %dma_wait3A_45 = tpu.memref_slice %arg14[%dma_wait3A, %dma_wait3A_44] : memref<10240x64xf32, #tpu.memory_space<vmem_shared>> -> memref<10240x64xf32, #tpu.memory_space<vmem_shared>>
        tpu.wait_indirect_dma semaphore(%run_scoped3A : memref<!tpu.dma_semaphore, #tpu.memory_space<semaphore_mem>>) src(%dma_wait3A_45 : memref<10240x64xf32, #tpu.memory_space<vmem_shared>>) dst(%arg13 : memref<640x64xf32, #tpu.memory_space<vmem>>)
        tpu.yield
      }) : () -> ()
      "tpu.region"() ({
        %run_scoped3A = tpu.sem_alloc : memref<!tpu.dma_semaphore, #tpu.memory_space<semaphore_mem>>
        %dma_start3A = arith.constant 0 : i32
        %dma_start3A_42 = arith.constant 0 : i32
        %dma_start3A_43 = tpu.memref_slice %arg15[%dma_start3A, %dma_start3A_42] : memref<10240x64xf32, #tpu.memory_space<vmem_shared>> -> memref<10240x64xf32, #tpu.memory_space<vmem_shared>>
        tpu.enqueue_indirect_dma source(%arg13 : memref<640x64xf32, #tpu.memory_space<vmem>>) target(%dma_start3A_43 : memref<10240x64xf32, #tpu.memory_space<vmem_shared>>) offsets(%arg12 : memref<640xi32, #tpu.memory_space<vmem>>) semaphore(%run_scoped3A : memref<!tpu.dma_semaphore, #tpu.memory_space<semaphore_mem>>) {add = true}
        %dma_wait3A = arith.constant 0 : i32
        %dma_wait3A_44 = arith.constant 0 : i32
        %dma_wait3A_45 = tpu.memref_slice %arg15[%dma_wait3A, %dma_wait3A_44] : memref<10240x64xf32, #tpu.memory_space<vmem_shared>> -> memref<10240x64xf32, #tpu.memory_space<vmem_shared>>
        tpu.wait_indirect_dma semaphore(%run_scoped3A : memref<!tpu.dma_semaphore, #tpu.memory_space<semaphore_mem>>) src(%arg13 : memref<640x64xf32, #tpu.memory_space<vmem>>) dst(%dma_wait3A_45 : memref<10240x64xf32, #tpu.memory_space<vmem_shared>>)
        tpu.yield
      }) : () -> ()
    }
    %scan3A_23 = arith.constant 16 : i32
    %barrier3A_24 = arith.constant 0 : index
    tpu.barrier barrier_id(%barrier3A_24)
    %eq3A_25 = arith.constant 0 : i32
    %eq3A_26 = arith.cmpi eq, %arg0, %eq3A_25 : i32
    %convert_element_type3A_27 = arith.extui %eq3A_26 : i1 to i32
    %cond3A_28 = arith.constant 0 : i32
    %cond3A_29 = arith.cmpi ne, %convert_element_type3A_27, %cond3A_28 : i32
    scf.if %cond3A_29 {
      "tpu.region"() ({
        %run_scoped3A = tpu.sem_alloc : memref<!tpu.dma_semaphore, #tpu.memory_space<semaphore_mem>>
        %dma_start3A = arith.constant 0 : i32
        %dma_start3A_36 = tpu.memref_slice %arg9[%mul3A_2, %dma_start3A] : memref<10240x64xf32, #tpu.memory_space<hbm>> -> memref<640x64xf32, #tpu.memory_space<hbm>>
        %dma_start3A_37 = arith.constant 0 : i32
        %dma_start3A_38 = tpu.memref_slice %arg15[%mul3A_2, %dma_start3A_37] : memref<10240x64xf32, #tpu.memory_space<vmem_shared>> -> memref<640x64xf32, #tpu.memory_space<vmem_shared>>
        tpu.enqueue_dma source(%dma_start3A_38 : memref<640x64xf32, #tpu.memory_space<vmem_shared>>) target(%dma_start3A_36 : memref<640x64xf32, #tpu.memory_space<hbm>>) target_semaphore(%run_scoped3A : memref<!tpu.dma_semaphore, #tpu.memory_space<semaphore_mem>>)
        %dma_wait3A = arith.constant 0 : i32
        %dma_wait3A_39 = tpu.memref_slice %arg9[%mul3A_2, %dma_wait3A] : memref<10240x64xf32, #tpu.memory_space<hbm>> -> memref<640x64xf32, #tpu.memory_space<hbm>>
        %dma_wait3A_40 = arith.constant 0 : i32
        %dma_wait3A_41 = tpu.memref_slice %arg15[%mul3A_2, %dma_wait3A_40] : memref<10240x64xf32, #tpu.memory_space<vmem_shared>> -> memref<640x64xf32, #tpu.memory_space<vmem_shared>>
        tpu.wait_dma2 semaphore(%run_scoped3A : memref<!tpu.dma_semaphore, #tpu.memory_space<semaphore_mem>>) src(%dma_wait3A_41 : memref<640x64xf32, #tpu.memory_space<vmem_shared>>) dst(%dma_wait3A_39 : memref<640x64xf32, #tpu.memory_space<hbm>>)
        tpu.yield
      }) : () -> ()
    } else {
    }
    %eq3A_30 = arith.constant 1 : i32
    %eq3A_31 = arith.cmpi eq, %arg0, %eq3A_30 : i32
    %convert_element_type3A_32 = arith.extui %eq3A_31 : i1 to i32
    %cond3A_33 = arith.constant 0 : i32
    %cond3A_34 = arith.cmpi ne, %convert_element_type3A_32, %cond3A_33 : i32
    scf.if %cond3A_34 {
      "tpu.region"() ({
        %run_scoped3A = tpu.sem_alloc : memref<!tpu.dma_semaphore, #tpu.memory_space<semaphore_mem>>
        %dma_start3A = arith.constant 0 : i32
        %dma_start3A_36 = tpu.memref_slice %arg10[%mul3A_2, %dma_start3A] : memref<10240x64xf32, #tpu.memory_space<hbm>> -> memref<640x64xf32, #tpu.memory_space<hbm>>
        %dma_start3A_37 = arith.constant 0 : i32
        %dma_start3A_38 = tpu.memref_slice %arg15[%mul3A_2, %dma_start3A_37] : memref<10240x64xf32, #tpu.memory_space<vmem_shared>> -> memref<640x64xf32, #tpu.memory_space<vmem_shared>>
        tpu.enqueue_dma source(%dma_start3A_38 : memref<640x64xf32, #tpu.memory_space<vmem_shared>>) target(%dma_start3A_36 : memref<640x64xf32, #tpu.memory_space<hbm>>) target_semaphore(%run_scoped3A : memref<!tpu.dma_semaphore, #tpu.memory_space<semaphore_mem>>)
        %dma_wait3A = arith.constant 0 : i32
        %dma_wait3A_39 = tpu.memref_slice %arg10[%mul3A_2, %dma_wait3A] : memref<10240x64xf32, #tpu.memory_space<hbm>> -> memref<640x64xf32, #tpu.memory_space<hbm>>
        %dma_wait3A_40 = arith.constant 0 : i32
        %dma_wait3A_41 = tpu.memref_slice %arg15[%mul3A_2, %dma_wait3A_40] : memref<10240x64xf32, #tpu.memory_space<vmem_shared>> -> memref<640x64xf32, #tpu.memory_space<vmem_shared>>
        tpu.wait_dma2 semaphore(%run_scoped3A : memref<!tpu.dma_semaphore, #tpu.memory_space<semaphore_mem>>) src(%dma_wait3A_41 : memref<640x64xf32, #tpu.memory_space<vmem_shared>>) dst(%dma_wait3A_39 : memref<640x64xf32, #tpu.memory_space<hbm>>)
        tpu.yield
      }) : () -> ()
    } else {
    }
    %barrier3A_35 = arith.constant 0 : index
    tpu.barrier barrier_id(%barrier3A_35)
    return
  }
}

#map = affine_map<(d0, d1) -> (0, 0)>
#map1 = affine_map<(d0, d1) -> (0)>
module attributes {stable_mosaic.version = 14 : i64} {
  func.func @scatter_k(%arg0: i32, %arg1: i32, %arg2: memref<10240x64xf32, #tpu.memory_space<hbm>>, %arg3: memref<10240x64xf32, #tpu.memory_space<hbm>>, %arg4: memref<327680xi32, #tpu.memory_space<hbm>>, %arg5: memref<327680xi32, #tpu.memory_space<hbm>>, %arg6: memref<10240x64xf32, #tpu.memory_space<hbm>>, %arg7: memref<10240x64xf32, #tpu.memory_space<hbm>>, %arg8: memref<10240x64xf32, #tpu.memory_space<hbm>>, %arg9: memref<10240x64xf32, #tpu.memory_space<hbm>>, %arg10: memref<10240x64xf32, #tpu.memory_space<hbm>>, %arg11: memref<640xi32, #tpu.memory_space<vmem>>, %arg12: memref<640xi32, #tpu.memory_space<vmem>>, %arg13: memref<640x64xf32, #tpu.memory_space<vmem>>, %arg14: memref<10240x64xf32, #tpu.memory_space<vmem_shared>>, %arg15: memref<10240x64xf32, #tpu.memory_space<vmem_shared>>) attributes {dimension_semantics = [#tpu.dimension_semantics<core_parallel>, #tpu.dimension_semantics<subcore_parallel>], iteration_bounds = array<i64: 2, 16>, scalar_prefetch = 0 : i64, scratch_operands = 5 : i64, tpu.core_type = #tpu.core_type<sc_vector_subcore>, window_params = [{transform_indices = #map}, {transform_indices = #map}, {transform_indices = #map1}, {transform_indices = #map1}, {transform_indices = #map}, {transform_indices = #map}, {transform_indices = #map}, {transform_indices = #map}, {transform_indices = #map}]} {
    %mul3A = arith.constant 2 : i32
    %mul3A_0 = arith.muli %arg1, %mul3A : i32
    %add3A = arith.addi %mul3A_0, %arg0 : i32
    %mul3A_1 = arith.constant 640 : i32
    %mul3A_2 = arith.muli %arg1, %mul3A_1 : i32
    "tpu.region"() ({
      %run_scoped3A = tpu.sem_alloc : memref<!tpu.dma_semaphore, #tpu.memory_space<semaphore_mem>>
      %dma_start3A = arith.constant 0 : i32
      %dma_start3A_36 = tpu.memref_slice %arg14[%mul3A_2, %dma_start3A] : memref<10240x64xf32, #tpu.memory_space<vmem_shared>> -> memref<640x64xf32, #tpu.memory_space<vmem_shared>>
      %dma_start3A_37 = arith.constant 0 : i32
      %dma_start3A_38 = tpu.memref_slice %arg2[%mul3A_2, %dma_start3A_37] : memref<10240x64xf32, #tpu.memory_space<hbm>> -> memref<640x64xf32, #tpu.memory_space<hbm>>
      tpu.enqueue_dma source(%dma_start3A_38 : memref<640x64xf32, #tpu.memory_space<hbm>>) target(%dma_start3A_36 : memref<640x64xf32, #tpu.memory_space<vmem_shared>>) target_semaphore(%run_scoped3A : memref<!tpu.dma_semaphore, #tpu.memory_space<semaphore_mem>>)
      %dma_wait3A = arith.constant 0 : i32
      %dma_wait3A_39 = tpu.memref_slice %arg14[%mul3A_2, %dma_wait3A] : memref<10240x64xf32, #tpu.memory_space<vmem_shared>> -> memref<640x64xf32, #tpu.memory_space<vmem_shared>>
      %dma_wait3A_40 = arith.constant 0 : i32
      %dma_wait3A_41 = tpu.memref_slice %arg2[%mul3A_2, %dma_wait3A_40] : memref<10240x64xf32, #tpu.memory_space<hbm>> -> memref<640x64xf32, #tpu.memory_space<hbm>>
      tpu.wait_dma2 semaphore(%run_scoped3A : memref<!tpu.dma_semaphore, #tpu.memory_space<semaphore_mem>>) src(%dma_wait3A_41 : memref<640x64xf32, #tpu.memory_space<hbm>>) dst(%dma_wait3A_39 : memref<640x64xf32, #tpu.memory_space<vmem_shared>>)
      tpu.yield
    }) : () -> ()
    "tpu.region"() ({
      %run_scoped3A = tpu.sem_alloc : memref<!tpu.dma_semaphore, #tpu.memory_space<semaphore_mem>>
      %dma_start3A = arith.constant 0 : i32
      %dma_start3A_36 = tpu.memref_slice %arg15[%mul3A_2, %dma_start3A] : memref<10240x64xf32, #tpu.memory_space<vmem_shared>> -> memref<640x64xf32, #tpu.memory_space<vmem_shared>>
      %dma_start3A_37 = arith.constant 0 : i32
      %dma_start3A_38 = tpu.memref_slice %arg6[%mul3A_2, %dma_start3A_37] : memref<10240x64xf32, #tpu.memory_space<hbm>> -> memref<640x64xf32, #tpu.memory_space<hbm>>
      tpu.enqueue_dma source(%dma_start3A_38 : memref<640x64xf32, #tpu.memory_space<hbm>>) target(%dma_start3A_36 : memref<640x64xf32, #tpu.memory_space<vmem_shared>>) target_semaphore(%run_scoped3A : memref<!tpu.dma_semaphore, #tpu.memory_space<semaphore_mem>>)
      %dma_wait3A = arith.constant 0 : i32
      %dma_wait3A_39 = tpu.memref_slice %arg15[%mul3A_2, %dma_wait3A] : memref<10240x64xf32, #tpu.memory_space<vmem_shared>> -> memref<640x64xf32, #tpu.memory_space<vmem_shared>>
      %dma_wait3A_40 = arith.constant 0 : i32
      %dma_wait3A_41 = tpu.memref_slice %arg6[%mul3A_2, %dma_wait3A_40] : memref<10240x64xf32, #tpu.memory_space<hbm>> -> memref<640x64xf32, #tpu.memory_space<hbm>>
      tpu.wait_dma2 semaphore(%run_scoped3A : memref<!tpu.dma_semaphore, #tpu.memory_space<semaphore_mem>>) src(%dma_wait3A_41 : memref<640x64xf32, #tpu.memory_space<hbm>>) dst(%dma_wait3A_39 : memref<640x64xf32, #tpu.memory_space<vmem_shared>>)
      tpu.yield
    }) : () -> ()
    %barrier3A = arith.constant 0 : index
    tpu.barrier barrier_id(%barrier3A)
    %scan3A = arith.constant 0 : i32
    %scan3A_3 = arith.constant 0 : i32
    %scan3A_4 = arith.constant 16 : i32
    %scan3A_5 = arith.addi %scan3A_3, %scan3A_4 : i32
    %scan3A_6 = arith.constant 1 : i32
    scf.for %scan3A_36 = %scan3A_3 to %scan3A_5 step %scan3A_6  : i32 {
      %mul3A_37 = arith.constant 10240 : i32
      %mul3A_38 = arith.muli %add3A, %mul3A_37 : i32
      %mul3A_39 = arith.constant 640 : i32
      %mul3A_40 = arith.muli %scan3A_36, %mul3A_39 : i32
      %add3A_41 = arith.addi %mul3A_38, %mul3A_40 : i32
      "tpu.region"() ({
        %run_scoped3A = tpu.sem_alloc : memref<!tpu.dma_semaphore, #tpu.memory_space<semaphore_mem>>
        %dma_start3A = tpu.memref_slice %arg4[%add3A_41] : memref<327680xi32, #tpu.memory_space<hbm>> -> memref<640xi32, #tpu.memory_space<hbm>>
        %dma_start3A_42 = tpu.memref_slice %arg4[%add3A_41] : memref<327680xi32, #tpu.memory_space<hbm>> -> memref<640xi32, #tpu.memory_space<hbm>>
        tpu.enqueue_dma source(%dma_start3A_42 : memref<640xi32, #tpu.memory_space<hbm>>) target(%arg11 : memref<640xi32, #tpu.memory_space<vmem>>) target_semaphore(%run_scoped3A : memref<!tpu.dma_semaphore, #tpu.memory_space<semaphore_mem>>)
        %dma_wait3A = tpu.memref_slice %arg4[%add3A_41] : memref<327680xi32, #tpu.memory_space<hbm>> -> memref<640xi32, #tpu.memory_space<hbm>>
        %dma_wait3A_43 = tpu.memref_slice %arg4[%add3A_41] : memref<327680xi32, #tpu.memory_space<hbm>> -> memref<640xi32, #tpu.memory_space<hbm>>
        tpu.wait_dma2 semaphore(%run_scoped3A : memref<!tpu.dma_semaphore, #tpu.memory_space<semaphore_mem>>) src(%dma_wait3A_43 : memref<640xi32, #tpu.memory_space<hbm>>) dst(%arg11 : memref<640xi32, #tpu.memory_space<vmem>>)
        tpu.yield
      }) : () -> ()
      "tpu.region"() ({
        %run_scoped3A = tpu.sem_alloc : memref<!tpu.dma_semaphore, #tpu.memory_space<semaphore_mem>>
        %dma_start3A = tpu.memref_slice %arg5[%add3A_41] : memref<327680xi32, #tpu.memory_space<hbm>> -> memref<640xi32, #tpu.memory_space<hbm>>
        %dma_start3A_42 = tpu.memref_slice %arg5[%add3A_41] : memref<327680xi32, #tpu.memory_space<hbm>> -> memref<640xi32, #tpu.memory_space<hbm>>
        tpu.enqueue_dma source(%dma_start3A_42 : memref<640xi32, #tpu.memory_space<hbm>>) target(%arg12 : memref<640xi32, #tpu.memory_space<vmem>>) target_semaphore(%run_scoped3A : memref<!tpu.dma_semaphore, #tpu.memory_space<semaphore_mem>>)
        %dma_wait3A = tpu.memref_slice %arg5[%add3A_41] : memref<327680xi32, #tpu.memory_space<hbm>> -> memref<640xi32, #tpu.memory_space<hbm>>
        %dma_wait3A_43 = tpu.memref_slice %arg5[%add3A_41] : memref<327680xi32, #tpu.memory_space<hbm>> -> memref<640xi32, #tpu.memory_space<hbm>>
        tpu.wait_dma2 semaphore(%run_scoped3A : memref<!tpu.dma_semaphore, #tpu.memory_space<semaphore_mem>>) src(%dma_wait3A_43 : memref<640xi32, #tpu.memory_space<hbm>>) dst(%arg12 : memref<640xi32, #tpu.memory_space<vmem>>)
        tpu.yield
      }) : () -> ()
      "tpu.region"() ({
        %run_scoped3A = tpu.sem_alloc : memref<!tpu.dma_semaphore, #tpu.memory_space<semaphore_mem>>
        %dma_start3A = arith.constant 0 : i32
        %dma_start3A_42 = arith.constant 0 : i32
        %dma_start3A_43 = tpu.memref_slice %arg14[%dma_start3A, %dma_start3A_42] : memref<10240x64xf32, #tpu.memory_space<vmem_shared>> -> memref<10240x64xf32, #tpu.memory_space<vmem_shared>>
        tpu.enqueue_indirect_dma source(%dma_start3A_43 : memref<10240x64xf32, #tpu.memory_space<vmem_shared>>) target(%arg13 : memref<640x64xf32, #tpu.memory_space<vmem>>) offsets(%arg11 : memref<640xi32, #tpu.memory_space<vmem>>) semaphore(%run_scoped3A : memref<!tpu.dma_semaphore, #tpu.memory_space<semaphore_mem>>)
        %dma_wait3A = arith.constant 0 : i32
        %dma_wait3A_44 = arith.constant 0 : i32
        %dma_wait3A_45 = tpu.memref_slice %arg14[%dma_wait3A, %dma_wait3A_44] : memref<10240x64xf32, #tpu.memory_space<vmem_shared>> -> memref<10240x64xf32, #tpu.memory_space<vmem_shared>>
        tpu.wait_indirect_dma semaphore(%run_scoped3A : memref<!tpu.dma_semaphore, #tpu.memory_space<semaphore_mem>>) src(%dma_wait3A_45 : memref<10240x64xf32, #tpu.memory_space<vmem_shared>>) dst(%arg13 : memref<640x64xf32, #tpu.memory_space<vmem>>)
        tpu.yield
      }) : () -> ()
      "tpu.region"() ({
        %run_scoped3A = tpu.sem_alloc : memref<!tpu.dma_semaphore, #tpu.memory_space<semaphore_mem>>
        %dma_start3A = arith.constant 0 : i32
        %dma_start3A_42 = arith.constant 0 : i32
        %dma_start3A_43 = tpu.memref_slice %arg15[%dma_start3A, %dma_start3A_42] : memref<10240x64xf32, #tpu.memory_space<vmem_shared>> -> memref<10240x64xf32, #tpu.memory_space<vmem_shared>>
        tpu.enqueue_indirect_dma source(%arg13 : memref<640x64xf32, #tpu.memory_space<vmem>>) target(%dma_start3A_43 : memref<10240x64xf32, #tpu.memory_space<vmem_shared>>) offsets(%arg12 : memref<640xi32, #tpu.memory_space<vmem>>) semaphore(%run_scoped3A : memref<!tpu.dma_semaphore, #tpu.memory_space<semaphore_mem>>) {add = true}
        %dma_wait3A = arith.constant 0 : i32
        %dma_wait3A_44 = arith.constant 0 : i32
        %dma_wait3A_45 = tpu.memref_slice %arg15[%dma_wait3A, %dma_wait3A_44] : memref<10240x64xf32, #tpu.memory_space<vmem_shared>> -> memref<10240x64xf32, #tpu.memory_space<vmem_shared>>
        tpu.wait_indirect_dma semaphore(%run_scoped3A : memref<!tpu.dma_semaphore, #tpu.memory_space<semaphore_mem>>) src(%arg13 : memref<640x64xf32, #tpu.memory_space<vmem>>) dst(%dma_wait3A_45 : memref<10240x64xf32, #tpu.memory_space<vmem_shared>>)
        tpu.yield
      }) : () -> ()
    }
    %scan3A_7 = arith.constant 16 : i32
    %barrier3A_8 = arith.constant 0 : index
    tpu.barrier barrier_id(%barrier3A_8)
    %eq3A = arith.constant 0 : i32
    %eq3A_9 = arith.cmpi eq, %arg0, %eq3A : i32
    %convert_element_type3A = arith.extui %eq3A_9 : i1 to i32
    %cond3A = arith.constant 0 : i32
    %cond3A_10 = arith.cmpi ne, %convert_element_type3A, %cond3A : i32
    scf.if %cond3A_10 {
      "tpu.region"() ({
        %run_scoped3A = tpu.sem_alloc : memref<!tpu.dma_semaphore, #tpu.memory_space<semaphore_mem>>
        %dma_start3A = arith.constant 0 : i32
        %dma_start3A_36 = tpu.memref_slice %arg7[%mul3A_2, %dma_start3A] : memref<10240x64xf32, #tpu.memory_space<hbm>> -> memref<640x64xf32, #tpu.memory_space<hbm>>
        %dma_start3A_37 = arith.constant 0 : i32
        %dma_start3A_38 = tpu.memref_slice %arg15[%mul3A_2, %dma_start3A_37] : memref<10240x64xf32, #tpu.memory_space<vmem_shared>> -> memref<640x64xf32, #tpu.memory_space<vmem_shared>>
        tpu.enqueue_dma source(%dma_start3A_38 : memref<640x64xf32, #tpu.memory_space<vmem_shared>>) target(%dma_start3A_36 : memref<640x64xf32, #tpu.memory_space<hbm>>) target_semaphore(%run_scoped3A : memref<!tpu.dma_semaphore, #tpu.memory_space<semaphore_mem>>)
        %dma_wait3A = arith.constant 0 : i32
        %dma_wait3A_39 = tpu.memref_slice %arg7[%mul3A_2, %dma_wait3A] : memref<10240x64xf32, #tpu.memory_space<hbm>> -> memref<640x64xf32, #tpu.memory_space<hbm>>
        %dma_wait3A_40 = arith.constant 0 : i32
        %dma_wait3A_41 = tpu.memref_slice %arg15[%mul3A_2, %dma_wait3A_40] : memref<10240x64xf32, #tpu.memory_space<vmem_shared>> -> memref<640x64xf32, #tpu.memory_space<vmem_shared>>
        tpu.wait_dma2 semaphore(%run_scoped3A : memref<!tpu.dma_semaphore, #tpu.memory_space<semaphore_mem>>) src(%dma_wait3A_41 : memref<640x64xf32, #tpu.memory_space<vmem_shared>>) dst(%dma_wait3A_39 : memref<640x64xf32, #tpu.memory_space<hbm>>)
        tpu.yield
      }) : () -> ()
    } else {
    }
    %eq3A_11 = arith.constant 1 : i32
    %eq3A_12 = arith.cmpi eq, %arg0, %eq3A_11 : i32
    %convert_element_type3A_13 = arith.extui %eq3A_12 : i1 to i32
    %cond3A_14 = arith.constant 0 : i32
    %cond3A_15 = arith.cmpi ne, %convert_element_type3A_13, %cond3A_14 : i32
    scf.if %cond3A_15 {
      "tpu.region"() ({
        %run_scoped3A = tpu.sem_alloc : memref<!tpu.dma_semaphore, #tpu.memory_space<semaphore_mem>>
        %dma_start3A = arith.constant 0 : i32
        %dma_start3A_36 = tpu.memref_slice %arg8[%mul3A_2, %dma_start3A] : memref<10240x64xf32, #tpu.memory_space<hbm>> -> memref<640x64xf32, #tpu.memory_space<hbm>>
        %dma_start3A_37 = arith.constant 0 : i32
        %dma_start3A_38 = tpu.memref_slice %arg15[%mul3A_2, %dma_start3A_37] : memref<10240x64xf32, #tpu.memory_space<vmem_shared>> -> memref<640x64xf32, #tpu.memory_space<vmem_shared>>
        tpu.enqueue_dma source(%dma_start3A_38 : memref<640x64xf32, #tpu.memory_space<vmem_shared>>) target(%dma_start3A_36 : memref<640x64xf32, #tpu.memory_space<hbm>>) target_semaphore(%run_scoped3A : memref<!tpu.dma_semaphore, #tpu.memory_space<semaphore_mem>>)
        %dma_wait3A = arith.constant 0 : i32
        %dma_wait3A_39 = tpu.memref_slice %arg8[%mul3A_2, %dma_wait3A] : memref<10240x64xf32, #tpu.memory_space<hbm>> -> memref<640x64xf32, #tpu.memory_space<hbm>>
        %dma_wait3A_40 = arith.constant 0 : i32
        %dma_wait3A_41 = tpu.memref_slice %arg15[%mul3A_2, %dma_wait3A_40] : memref<10240x64xf32, #tpu.memory_space<vmem_shared>> -> memref<640x64xf32, #tpu.memory_space<vmem_shared>>
        tpu.wait_dma2 semaphore(%run_scoped3A : memref<!tpu.dma_semaphore, #tpu.memory_space<semaphore_mem>>) src(%dma_wait3A_41 : memref<640x64xf32, #tpu.memory_space<vmem_shared>>) dst(%dma_wait3A_39 : memref<640x64xf32, #tpu.memory_space<hbm>>)
        tpu.yield
      }) : () -> ()
    } else {
    }
    %barrier3A_16 = arith.constant 0 : index
    tpu.barrier barrier_id(%barrier3A_16)
    "tpu.region"() ({
      %run_scoped3A = tpu.sem_alloc : memref<!tpu.dma_semaphore, #tpu.memory_space<semaphore_mem>>
      %dma_start3A = arith.constant 0 : i32
      %dma_start3A_36 = tpu.memref_slice %arg14[%mul3A_2, %dma_start3A] : memref<10240x64xf32, #tpu.memory_space<vmem_shared>> -> memref<640x64xf32, #tpu.memory_space<vmem_shared>>
      %dma_start3A_37 = arith.constant 0 : i32
      %dma_start3A_38 = tpu.memref_slice %arg3[%mul3A_2, %dma_start3A_37] : memref<10240x64xf32, #tpu.memory_space<hbm>> -> memref<640x64xf32, #tpu.memory_space<hbm>>
      tpu.enqueue_dma source(%dma_start3A_38 : memref<640x64xf32, #tpu.memory_space<hbm>>) target(%dma_start3A_36 : memref<640x64xf32, #tpu.memory_space<vmem_shared>>) target_semaphore(%run_scoped3A : memref<!tpu.dma_semaphore, #tpu.memory_space<semaphore_mem>>)
      %dma_wait3A = arith.constant 0 : i32
      %dma_wait3A_39 = tpu.memref_slice %arg14[%mul3A_2, %dma_wait3A] : memref<10240x64xf32, #tpu.memory_space<vmem_shared>> -> memref<640x64xf32, #tpu.memory_space<vmem_shared>>
      %dma_wait3A_40 = arith.constant 0 : i32
      %dma_wait3A_41 = tpu.memref_slice %arg3[%mul3A_2, %dma_wait3A_40] : memref<10240x64xf32, #tpu.memory_space<hbm>> -> memref<640x64xf32, #tpu.memory_space<hbm>>
      tpu.wait_dma2 semaphore(%run_scoped3A : memref<!tpu.dma_semaphore, #tpu.memory_space<semaphore_mem>>) src(%dma_wait3A_41 : memref<640x64xf32, #tpu.memory_space<hbm>>) dst(%dma_wait3A_39 : memref<640x64xf32, #tpu.memory_space<vmem_shared>>)
      tpu.yield
    }) : () -> ()
    "tpu.region"() ({
      %run_scoped3A = tpu.sem_alloc : memref<!tpu.dma_semaphore, #tpu.memory_space<semaphore_mem>>
      %dma_start3A = arith.constant 0 : i32
      %dma_start3A_36 = tpu.memref_slice %arg15[%mul3A_2, %dma_start3A] : memref<10240x64xf32, #tpu.memory_space<vmem_shared>> -> memref<640x64xf32, #tpu.memory_space<vmem_shared>>
      %dma_start3A_37 = arith.constant 0 : i32
      %dma_start3A_38 = tpu.memref_slice %arg6[%mul3A_2, %dma_start3A_37] : memref<10240x64xf32, #tpu.memory_space<hbm>> -> memref<640x64xf32, #tpu.memory_space<hbm>>
      tpu.enqueue_dma source(%dma_start3A_38 : memref<640x64xf32, #tpu.memory_space<hbm>>) target(%dma_start3A_36 : memref<640x64xf32, #tpu.memory_space<vmem_shared>>) target_semaphore(%run_scoped3A : memref<!tpu.dma_semaphore, #tpu.memory_space<semaphore_mem>>)
      %dma_wait3A = arith.constant 0 : i32
      %dma_wait3A_39 = tpu.memref_slice %arg15[%mul3A_2, %dma_wait3A] : memref<10240x64xf32, #tpu.memory_space<vmem_shared>> -> memref<640x64xf32, #tpu.memory_space<vmem_shared>>
      %dma_wait3A_40 = arith.constant 0 : i32
      %dma_wait3A_41 = tpu.memref_slice %arg6[%mul3A_2, %dma_wait3A_40] : memref<10240x64xf32, #tpu.memory_space<hbm>> -> memref<640x64xf32, #tpu.memory_space<hbm>>
      tpu.wait_dma2 semaphore(%run_scoped3A : memref<!tpu.dma_semaphore, #tpu.memory_space<semaphore_mem>>) src(%dma_wait3A_41 : memref<640x64xf32, #tpu.memory_space<hbm>>) dst(%dma_wait3A_39 : memref<640x64xf32, #tpu.memory_space<vmem_shared>>)
      tpu.yield
    }) : () -> ()
    %barrier3A_17 = arith.constant 0 : index
    tpu.barrier barrier_id(%barrier3A_17)
    %scan3A_18 = arith.constant 0 : i32
    %scan3A_19 = arith.constant 0 : i32
    %scan3A_20 = arith.constant 16 : i32
    %scan3A_21 = arith.addi %scan3A_19, %scan3A_20 : i32
    %scan3A_22 = arith.constant 1 : i32
    scf.for %scan3A_36 = %scan3A_19 to %scan3A_21 step %scan3A_22  : i32 {
      %mul3A_37 = arith.constant 10240 : i32
      %mul3A_38 = arith.muli %add3A, %mul3A_37 : i32
      %mul3A_39 = arith.constant 640 : i32
      %mul3A_40 = arith.muli %scan3A_36, %mul3A_39 : i32
      %add3A_41 = arith.addi %mul3A_38, %mul3A_40 : i32
      "tpu.region"() ({
        %run_scoped3A = tpu.sem_alloc : memref<!tpu.dma_semaphore, #tpu.memory_space<semaphore_mem>>
        %dma_start3A = tpu.memref_slice %arg4[%add3A_41] : memref<327680xi32, #tpu.memory_space<hbm>> -> memref<640xi32, #tpu.memory_space<hbm>>
        %dma_start3A_42 = tpu.memref_slice %arg4[%add3A_41] : memref<327680xi32, #tpu.memory_space<hbm>> -> memref<640xi32, #tpu.memory_space<hbm>>
        tpu.enqueue_dma source(%dma_start3A_42 : memref<640xi32, #tpu.memory_space<hbm>>) target(%arg11 : memref<640xi32, #tpu.memory_space<vmem>>) target_semaphore(%run_scoped3A : memref<!tpu.dma_semaphore, #tpu.memory_space<semaphore_mem>>)
        %dma_wait3A = tpu.memref_slice %arg4[%add3A_41] : memref<327680xi32, #tpu.memory_space<hbm>> -> memref<640xi32, #tpu.memory_space<hbm>>
        %dma_wait3A_43 = tpu.memref_slice %arg4[%add3A_41] : memref<327680xi32, #tpu.memory_space<hbm>> -> memref<640xi32, #tpu.memory_space<hbm>>
        tpu.wait_dma2 semaphore(%run_scoped3A : memref<!tpu.dma_semaphore, #tpu.memory_space<semaphore_mem>>) src(%dma_wait3A_43 : memref<640xi32, #tpu.memory_space<hbm>>) dst(%arg11 : memref<640xi32, #tpu.memory_space<vmem>>)
        tpu.yield
      }) : () -> ()
      "tpu.region"() ({
        %run_scoped3A = tpu.sem_alloc : memref<!tpu.dma_semaphore, #tpu.memory_space<semaphore_mem>>
        %dma_start3A = tpu.memref_slice %arg5[%add3A_41] : memref<327680xi32, #tpu.memory_space<hbm>> -> memref<640xi32, #tpu.memory_space<hbm>>
        %dma_start3A_42 = tpu.memref_slice %arg5[%add3A_41] : memref<327680xi32, #tpu.memory_space<hbm>> -> memref<640xi32, #tpu.memory_space<hbm>>
        tpu.enqueue_dma source(%dma_start3A_42 : memref<640xi32, #tpu.memory_space<hbm>>) target(%arg12 : memref<640xi32, #tpu.memory_space<vmem>>) target_semaphore(%run_scoped3A : memref<!tpu.dma_semaphore, #tpu.memory_space<semaphore_mem>>)
        %dma_wait3A = tpu.memref_slice %arg5[%add3A_41] : memref<327680xi32, #tpu.memory_space<hbm>> -> memref<640xi32, #tpu.memory_space<hbm>>
        %dma_wait3A_43 = tpu.memref_slice %arg5[%add3A_41] : memref<327680xi32, #tpu.memory_space<hbm>> -> memref<640xi32, #tpu.memory_space<hbm>>
        tpu.wait_dma2 semaphore(%run_scoped3A : memref<!tpu.dma_semaphore, #tpu.memory_space<semaphore_mem>>) src(%dma_wait3A_43 : memref<640xi32, #tpu.memory_space<hbm>>) dst(%arg12 : memref<640xi32, #tpu.memory_space<vmem>>)
        tpu.yield
      }) : () -> ()
      "tpu.region"() ({
        %run_scoped3A = tpu.sem_alloc : memref<!tpu.dma_semaphore, #tpu.memory_space<semaphore_mem>>
        %dma_start3A = arith.constant 0 : i32
        %dma_start3A_42 = arith.constant 0 : i32
        %dma_start3A_43 = tpu.memref_slice %arg14[%dma_start3A, %dma_start3A_42] : memref<10240x64xf32, #tpu.memory_space<vmem_shared>> -> memref<10240x64xf32, #tpu.memory_space<vmem_shared>>
        tpu.enqueue_indirect_dma source(%dma_start3A_43 : memref<10240x64xf32, #tpu.memory_space<vmem_shared>>) target(%arg13 : memref<640x64xf32, #tpu.memory_space<vmem>>) offsets(%arg11 : memref<640xi32, #tpu.memory_space<vmem>>) semaphore(%run_scoped3A : memref<!tpu.dma_semaphore, #tpu.memory_space<semaphore_mem>>)
        %dma_wait3A = arith.constant 0 : i32
        %dma_wait3A_44 = arith.constant 0 : i32
        %dma_wait3A_45 = tpu.memref_slice %arg14[%dma_wait3A, %dma_wait3A_44] : memref<10240x64xf32, #tpu.memory_space<vmem_shared>> -> memref<10240x64xf32, #tpu.memory_space<vmem_shared>>
        tpu.wait_indirect_dma semaphore(%run_scoped3A : memref<!tpu.dma_semaphore, #tpu.memory_space<semaphore_mem>>) src(%dma_wait3A_45 : memref<10240x64xf32, #tpu.memory_space<vmem_shared>>) dst(%arg13 : memref<640x64xf32, #tpu.memory_space<vmem>>)
        tpu.yield
      }) : () -> ()
      "tpu.region"() ({
        %run_scoped3A = tpu.sem_alloc : memref<!tpu.dma_semaphore, #tpu.memory_space<semaphore_mem>>
        %dma_start3A = arith.constant 0 : i32
        %dma_start3A_42 = arith.constant 0 : i32
        %dma_start3A_43 = tpu.memref_slice %arg15[%dma_start3A, %dma_start3A_42] : memref<10240x64xf32, #tpu.memory_space<vmem_shared>> -> memref<10240x64xf32, #tpu.memory_space<vmem_shared>>
        tpu.enqueue_indirect_dma source(%arg13 : memref<640x64xf32, #tpu.memory_space<vmem>>) target(%dma_start3A_43 : memref<10240x64xf32, #tpu.memory_space<vmem_shared>>) offsets(%arg12 : memref<640xi32, #tpu.memory_space<vmem>>) semaphore(%run_scoped3A : memref<!tpu.dma_semaphore, #tpu.memory_space<semaphore_mem>>) {add = true}
        %dma_wait3A = arith.constant 0 : i32
        %dma_wait3A_44 = arith.constant 0 : i32
        %dma_wait3A_45 = tpu.memref_slice %arg15[%dma_wait3A, %dma_wait3A_44] : memref<10240x64xf32, #tpu.memory_space<vmem_shared>> -> memref<10240x64xf32, #tpu.memory_space<vmem_shared>>
        tpu.wait_indirect_dma semaphore(%run_scoped3A : memref<!tpu.dma_semaphore, #tpu.memory_space<semaphore_mem>>) src(%arg13 : memref<640x64xf32, #tpu.memory_space<vmem>>) dst(%dma_wait3A_45 : memref<10240x64xf32, #tpu.memory_space<vmem_shared>>)
        tpu.yield
      }) : () -> ()
    }
    %scan3A_23 = arith.constant 16 : i32
    %barrier3A_24 = arith.constant 0 : index
    tpu.barrier barrier_id(%barrier3A_24)
    %eq3A_25 = arith.constant 0 : i32
    %eq3A_26 = arith.cmpi eq, %arg0, %eq3A_25 : i32
    %convert_element_type3A_27 = arith.extui %eq3A_26 : i1 to i32
    %cond3A_28 = arith.constant 0 : i32
    %cond3A_29 = arith.cmpi ne, %convert_element_type3A_27, %cond3A_28 : i32
    scf.if %cond3A_29 {
      "tpu.region"() ({
        %run_scoped3A = tpu.sem_alloc : memref<!tpu.dma_semaphore, #tpu.memory_space<semaphore_mem>>
        %dma_start3A = arith.constant 0 : i32
        %dma_start3A_36 = tpu.memref_slice %arg9[%mul3A_2, %dma_start3A] : memref<10240x64xf32, #tpu.memory_space<hbm>> -> memref<640x64xf32, #tpu.memory_space<hbm>>
        %dma_start3A_37 = arith.constant 0 : i32
        %dma_start3A_38 = tpu.memref_slice %arg15[%mul3A_2, %dma_start3A_37] : memref<10240x64xf32, #tpu.memory_space<vmem_shared>> -> memref<640x64xf32, #tpu.memory_space<vmem_shared>>
        tpu.enqueue_dma source(%dma_start3A_38 : memref<640x64xf32, #tpu.memory_space<vmem_shared>>) target(%dma_start3A_36 : memref<640x64xf32, #tpu.memory_space<hbm>>) target_semaphore(%run_scoped3A : memref<!tpu.dma_semaphore, #tpu.memory_space<semaphore_mem>>)
        %dma_wait3A = arith.constant 0 : i32
        %dma_wait3A_39 = tpu.memref_slice %arg9[%mul3A_2, %dma_wait3A] : memref<10240x64xf32, #tpu.memory_space<hbm>> -> memref<640x64xf32, #tpu.memory_space<hbm>>
        %dma_wait3A_40 = arith.constant 0 : i32
        %dma_wait3A_41 = tpu.memref_slice %arg15[%mul3A_2, %dma_wait3A_40] : memref<10240x64xf32, #tpu.memory_space<vmem_shared>> -> memref<640x64xf32, #tpu.memory_space<vmem_shared>>
        tpu.wait_dma2 semaphore(%run_scoped3A : memref<!tpu.dma_semaphore, #tpu.memory_space<semaphore_mem>>) src(%dma_wait3A_41 : memref<640x64xf32, #tpu.memory_space<vmem_shared>>) dst(%dma_wait3A_39 : memref<640x64xf32, #tpu.memory_space<hbm>>)
        tpu.yield
      }) : () -> ()
    } else {
    }
    %eq3A_30 = arith.constant 1 : i32
    %eq3A_31 = arith.cmpi eq, %arg0, %eq3A_30 : i32
    %convert_element_type3A_32 = arith.extui %eq3A_31 : i1 to i32
    %cond3A_33 = arith.constant 0 : i32
    %cond3A_34 = arith.cmpi ne, %convert_element_type3A_32, %cond3A_33 : i32
    scf.if %cond3A_34 {
      "tpu.region"() ({
        %run_scoped3A = tpu.sem_alloc : memref<!tpu.dma_semaphore, #tpu.memory_space<semaphore_mem>>
        %dma_start3A = arith.constant 0 : i32
        %dma_start3A_36 = tpu.memref_slice %arg10[%mul3A_2, %dma_start3A] : memref<10240x64xf32, #tpu.memory_space<hbm>> -> memref<640x64xf32, #tpu.memory_space<hbm>>
        %dma_start3A_37 = arith.constant 0 : i32
        %dma_start3A_38 = tpu.memref_slice %arg15[%mul3A_2, %dma_start3A_37] : memref<10240x64xf32, #tpu.memory_space<vmem_shared>> -> memref<640x64xf32, #tpu.memory_space<vmem_shared>>
        tpu.enqueue_dma source(%dma_start3A_38 : memref<640x64xf32, #tpu.memory_space<vmem_shared>>) target(%dma_start3A_36 : memref<640x64xf32, #tpu.memory_space<hbm>>) target_semaphore(%run_scoped3A : memref<!tpu.dma_semaphore, #tpu.memory_space<semaphore_mem>>)
        %dma_wait3A = arith.constant 0 : i32
        %dma_wait3A_39 = tpu.memref_slice %arg10[%mul3A_2, %dma_wait3A] : memref<10240x64xf32, #tpu.memory_space<hbm>> -> memref<640x64xf32, #tpu.memory_space<hbm>>
        %dma_wait3A_40 = arith.constant 0 : i32
        %dma_wait3A_41 = tpu.memref_slice %arg15[%mul3A_2, %dma_wait3A_40] : memref<10240x64xf32, #tpu.memory_space<vmem_shared>> -> memref<640x64xf32, #tpu.memory_space<vmem_shared>>
        tpu.wait_dma2 semaphore(%run_scoped3A : memref<!tpu.dma_semaphore, #tpu.memory_space<semaphore_mem>>) src(%dma_wait3A_41 : memref<640x64xf32, #tpu.memory_space<vmem_shared>>) dst(%dma_wait3A_39 : memref<640x64xf32, #tpu.memory_space<hbm>>)
        tpu.yield
      }) : () -> ()
    } else {
    }
    %barrier3A_35 = arith.constant 0 : index
    tpu.barrier barrier_id(%barrier3A_35)
    return
  }
}

module attributes {stable_mosaic.version = 14 : i64} {
  func.func @_f0_body(%arg0: i32, %arg1: memref<1280x128xf32, #tpu.memory_space<vmem>>, %arg2: memref<128x128xf32, #tpu.memory_space<vmem>>, %arg3: memref<1x128xf32, #tpu.memory_space<vmem>>, %arg4: memref<128x128xf32, #tpu.memory_space<vmem>>, %arg5: memref<1x128xf32, #tpu.memory_space<vmem>>, %arg6: memref<128x128xf32, #tpu.memory_space<vmem>>, %arg7: memref<1x128xf32, #tpu.memory_space<vmem>>, %arg8: memref<1280x1xf32, #tpu.memory_space<vmem>>, %arg9: memref<1280x1xf32, #tpu.memory_space<vmem>>, %arg10: memref<1280x128xf32, #tpu.memory_space<vmem>>, %arg11: memref<1280x64xf32, #tpu.memory_space<vmem>>, %arg12: memref<1280x64xf32, #tpu.memory_space<vmem>>) attributes {dimension_semantics = [#tpu.dimension_semantics<arbitrary>], iteration_bounds = array<i64: 8>, scalar_prefetch = 0 : i64, scratch_operands = 0 : i64, tpu.core_type = #tpu.core_type<tc>, window_params = [{transform_indices = @transform_0, window_bounds = array<i64: 1280, 128>}, {pipeline_mode = #tpu.pipeline_mode<synchronous>, transform_indices = @transform_1, window_bounds = array<i64: 128, 128>}, {pipeline_mode = #tpu.pipeline_mode<synchronous>, transform_indices = @transform_2, window_bounds = array<i64: 1, 128>}, {pipeline_mode = #tpu.pipeline_mode<synchronous>, transform_indices = @transform_3, window_bounds = array<i64: 128, 128>}, {pipeline_mode = #tpu.pipeline_mode<synchronous>, transform_indices = @transform_4, window_bounds = array<i64: 1, 128>}, {pipeline_mode = #tpu.pipeline_mode<synchronous>, transform_indices = @transform_5, window_bounds = array<i64: 128, 128>}, {pipeline_mode = #tpu.pipeline_mode<synchronous>, transform_indices = @transform_6, window_bounds = array<i64: 1, 128>}, {transform_indices = @transform_7, window_bounds = array<i64: 1280, 1>}, {transform_indices = @transform_8, window_bounds = array<i64: 1280, 1>}, {transform_indices = @transform_9, window_bounds = array<i64: 1280, 128>}, {transform_indices = @transform_10, window_bounds = array<i64: 1280, 64>}, {transform_indices = @transform_11, window_bounds = array<i64: 1280, 64>}]} {
    %get3A = arith.constant 0 : index
    %get3A_0 = arith.constant 0 : index
    %get3A_1 = vector.load %arg1[%get3A, %get3A_0] : memref<1280x128xf32, #tpu.memory_space<vmem>>, vector<1280x128xf32>
    %get3A_2 = arith.constant 0 : index
    %get3A_3 = arith.constant 0 : index
    %get3A_4 = vector.load %arg2[%get3A_2, %get3A_3] : memref<128x128xf32, #tpu.memory_space<vmem>>, vector<128x128xf32>
    %dot_general3A = arith.constant dense<0.000000e+00> : vector<1280x128xf32>
    %dot_general3A_5 = tpu.matmul %get3A_1, %get3A_4, %dot_general3A {dimension_numbers = #tpu.dot_dimension_numbers<[1], [0], [0], [1], [0, 0, 1, 1], [], []>, transpose_lhs_hint = false} : vector<1280x128xf32>, vector<128x128xf32>, vector<1280x128xf32> -> vector<1280x128xf32>
    %get3A_6 = arith.constant 0 : index
    %get3A_7 = arith.constant 0 : index
    %get3A_8 = vector.load %arg3[%get3A_6, %get3A_7] : memref<1x128xf32, #tpu.memory_space<vmem>>, vector<1x128xf32>
    %add3A = vector.broadcast %get3A_8 : vector<1x128xf32> to vector<1280x128xf32>
    %add3A_9 = arith.addf %dot_general3A_5, %add3A : vector<1280x128xf32>
    %swap3A = arith.constant 0 : index
    %swap3A_10 = arith.constant 0 : index
    %swap3A_11 = vector.load %arg10[%swap3A, %swap3A_10] : memref<1280x128xf32, #tpu.memory_space<vmem>>, vector<1280x128xf32>
    tpu.vector_store %arg10[%swap3A, %swap3A_10], %add3A_9 {strides = array<i32>} : memref<1280x128xf32, #tpu.memory_space<vmem>>, vector<1280x128xf32>,
    %get3A_12 = arith.constant 0 : index
    %get3A_13 = arith.constant 0 : index
    %get3A_14 = vector.load %arg4[%get3A_12, %get3A_13] : memref<128x128xf32, #tpu.memory_space<vmem>>, vector<128x128xf32>
    %get3A_15 = arith.constant 0 : index
    %get3A_16 = arith.constant 0 : index
    %get3A_17 = vector.load %arg5[%get3A_15, %get3A_16] : memref<1x128xf32, #tpu.memory_space<vmem>>, vector<1x128xf32>
    %get3A_18 = arith.constant 0 : index
    %get3A_19 = arith.constant 0 : index
    %get3A_20 = vector.load %arg6[%get3A_18, %get3A_19] : memref<128x128xf32, #tpu.memory_space<vmem>>, vector<128x128xf32>
    %get3A_21 = arith.constant 0 : index
    %get3A_22 = arith.constant 0 : index
    %get3A_23 = vector.load %arg7[%get3A_21, %get3A_22] : memref<1x128xf32, #tpu.memory_space<vmem>>, vector<1x128xf32>
    %dot_general3A_24 = arith.constant dense<0.000000e+00> : vector<1280x128xf32>
    %dot_general3A_25 = tpu.matmul %add3A_9, %get3A_14, %dot_general3A_24 {dimension_numbers = #tpu.dot_dimension_numbers<[1], [0], [0], [1], [0, 0, 1, 1], [], []>, transpose_lhs_hint = false} : vector<1280x128xf32>, vector<128x128xf32>, vector<1280x128xf32> -> vector<1280x128xf32>
    %add3A_26 = vector.broadcast %get3A_17 : vector<1x128xf32> to vector<1280x128xf32>
    %add3A_27 = arith.addf %dot_general3A_25, %add3A_26 : vector<1280x128xf32>
    %max3A = arith.constant 0.000000e+00 : f32
    %max3A_28 = vector.broadcast %max3A : f32 to vector<1280x128xf32>
    %max3A_29 = arith.maximumf %add3A_27, %max3A_28 : vector<1280x128xf32>
    %dot_general3A_30 = arith.constant dense<0.000000e+00> : vector<1280x128xf32>
    %dot_general3A_31 = tpu.matmul %max3A_29, %get3A_20, %dot_general3A_30 {dimension_numbers = #tpu.dot_dimension_numbers<[1], [0], [0], [1], [0, 0, 1, 1], [], []>, transpose_lhs_hint = false} : vector<1280x128xf32>, vector<128x128xf32>, vector<1280x128xf32> -> vector<1280x128xf32>
    %add3A_32 = vector.broadcast %get3A_23 : vector<1x128xf32> to vector<1280x128xf32>
    %add3A_33 = arith.addf %dot_general3A_31, %add3A_32 : vector<1280x128xf32>
    %max3A_34 = arith.constant 0.000000e+00 : f32
    %max3A_35 = vector.broadcast %max3A_34 : f32 to vector<1280x128xf32>
    %max3A_36 = arith.maximumf %add3A_33, %max3A_35 : vector<1280x128xf32>
    %get3A_37 = arith.constant 0 : index
    %get3A_38 = arith.constant 0 : index
    %get3A_39 = vector.load %arg8[%get3A_37, %get3A_38] : memref<1280x1xf32, #tpu.memory_space<vmem>>, vector<1280x1xf32>
    %get3A_40 = arith.constant 0 : index
    %get3A_41 = arith.constant 0 : index
    %get3A_42 = vector.load %arg9[%get3A_40, %get3A_41] : memref<1280x1xf32, #tpu.memory_space<vmem>>, vector<1280x1xf32>
    %add3A_43 = arith.addf %get3A_39, %get3A_42 : vector<1280x1xf32>
    %add3A_44 = arith.constant 1.000000e+00 : f32
    %add3A_45 = vector.broadcast %add3A_44 : f32 to vector<1280x1xf32>
    %add3A_46 = arith.addf %add3A_43, %add3A_45 : vector<1280x1xf32>
    %rsqrt3A = math.rsqrt %add3A_46 : vector<1280x1xf32>
    %mul3A = vector.broadcast %rsqrt3A : vector<1280x1xf32> to vector<1280x128xf32>
    %mul3A_47 = arith.mulf %max3A_36, %mul3A : vector<1280x128xf32>
    %slice3A = vector.extract_strided_slice %mul3A_47 {offsets = [0, 0], sizes = [1280, 64], strides = [1, 1]} : vector<1280x128xf32> to vector<1280x64xf32>
    %swap3A_48 = arith.constant 0 : index
    %swap3A_49 = arith.constant 0 : index
    %swap3A_50 = vector.load %arg11[%swap3A_48, %swap3A_49] : memref<1280x64xf32, #tpu.memory_space<vmem>>, vector<1280x64xf32>
    tpu.vector_store %arg11[%swap3A_48, %swap3A_49], %slice3A {strides = array<i32>} : memref<1280x64xf32, #tpu.memory_space<vmem>>, vector<1280x64xf32>,
    %slice3A_51 = vector.extract_strided_slice %mul3A_47 {offsets = [0, 64], sizes = [1280, 64], strides = [1, 1]} : vector<1280x128xf32> to vector<1280x64xf32>
    %swap3A_52 = arith.constant 0 : index
    %swap3A_53 = arith.constant 0 : index
    %swap3A_54 = vector.load %arg12[%swap3A_52, %swap3A_53] : memref<1280x64xf32, #tpu.memory_space<vmem>>, vector<1280x64xf32>
    tpu.vector_store %arg12[%swap3A_52, %swap3A_53], %slice3A_51 {strides = array<i32>} : memref<1280x64xf32, #tpu.memory_space<vmem>>, vector<1280x64xf32>,
    return
  }
  func.func @transform_0(%arg0: i32) -> (i32, i32) {
    %c0_i32 = arith.constant 0 : i32
    %c0_i32_0 = arith.constant 0 : i32
    return %arg0, %c0_i32 : i32, i32
  }
  func.func @transform_1(%arg0: i32) -> (i32, i32) {
    %c0_i32 = arith.constant 0 : i32
    %c0_i32_0 = arith.constant 0 : i32
    %c0_i32_1 = arith.constant 0 : i32
    return %c0_i32, %c0_i32_0 : i32, i32
  }
  func.func @transform_2(%arg0: i32) -> (i32, i32) {
    %c0_i32 = arith.constant 0 : i32
    %c0_i32_0 = arith.constant 0 : i32
    %c0_i32_1 = arith.constant 0 : i32
    return %c0_i32, %c0_i32_0 : i32, i32
  }
  func.func @transform_3(%arg0: i32) -> (i32, i32) {
    %c0_i32 = arith.constant 0 : i32
    %c0_i32_0 = arith.constant 0 : i32
    %c0_i32_1 = arith.constant 0 : i32
    return %c0_i32, %c0_i32_0 : i32, i32
  }
  func.func @transform_4(%arg0: i32) -> (i32, i32) {
    %c0_i32 = arith.constant 0 : i32
    %c0_i32_0 = arith.constant 0 : i32
    %c0_i32_1 = arith.constant 0 : i32
    return %c0_i32, %c0_i32_0 : i32, i32
  }
  func.func @transform_5(%arg0: i32) -> (i32, i32) {
    %c0_i32 = arith.constant 0 : i32
    %c0_i32_0 = arith.constant 0 : i32
    %c0_i32_1 = arith.constant 0 : i32
    return %c0_i32, %c0_i32_0 : i32, i32
  }
  func.func @transform_6(%arg0: i32) -> (i32, i32) {
    %c0_i32 = arith.constant 0 : i32
    %c0_i32_0 = arith.constant 0 : i32
    %c0_i32_1 = arith.constant 0 : i32
    return %c0_i32, %c0_i32_0 : i32, i32
  }
  func.func @transform_7(%arg0: i32) -> (i32, i32) {
    %c0_i32 = arith.constant 0 : i32
    %c0_i32_0 = arith.constant 0 : i32
    return %arg0, %c0_i32 : i32, i32
  }
  func.func @transform_8(%arg0: i32) -> (i32, i32) {
    %c0_i32 = arith.constant 0 : i32
    %c0_i32_0 = arith.constant 0 : i32
    return %arg0, %c0_i32 : i32, i32
  }
  func.func @transform_9(%arg0: i32) -> (i32, i32) {
    %c0_i32 = arith.constant 0 : i32
    %c0_i32_0 = arith.constant 0 : i32
    return %arg0, %c0_i32 : i32, i32
  }
  func.func @transform_10(%arg0: i32) -> (i32, i32) {
    %c0_i32 = arith.constant 0 : i32
    %c0_i32_0 = arith.constant 0 : i32
    return %arg0, %c0_i32 : i32, i32
  }
  func.func @transform_11(%arg0: i32) -> (i32, i32) {
    %c0_i32 = arith.constant 0 : i32
    %c0_i32_0 = arith.constant 0 : i32
    return %arg0, %c0_i32 : i32, i32
  }
}

module attributes {stable_mosaic.version = 14 : i64} {
  func.func @_f1_body(%arg0: i32, %arg1: memref<1280x64xf32, #tpu.memory_space<vmem>>, %arg2: memref<1280x64xf32, #tpu.memory_space<vmem>>, %arg3: memref<1280x64xf32, #tpu.memory_space<vmem>>, %arg4: memref<1280x64xf32, #tpu.memory_space<vmem>>, %arg5: memref<1280x64xf32, #tpu.memory_space<vmem>>, %arg6: memref<1280x64xf32, #tpu.memory_space<vmem>>, %arg7: memref<1280x128xf32, #tpu.memory_space<vmem>>, %arg8: memref<1280x1xf32, #tpu.memory_space<vmem>>, %arg9: memref<1280x1xf32, #tpu.memory_space<vmem>>, %arg10: memref<1x128xf32, #tpu.memory_space<vmem>>, %arg11: memref<1x128xf32, #tpu.memory_space<vmem>>, %arg12: memref<128x128xf32, #tpu.memory_space<vmem>>, %arg13: memref<1x128xf32, #tpu.memory_space<vmem>>, %arg14: memref<128x128xf32, #tpu.memory_space<vmem>>, %arg15: memref<1x128xf32, #tpu.memory_space<vmem>>, %arg16: memref<1280x1xf32, #tpu.memory_space<vmem>>, %arg17: memref<1280x1xf32, #tpu.memory_space<vmem>>, %arg18: memref<1280x128xf32, #tpu.memory_space<vmem>>, %arg19: memref<1280x64xf32, #tpu.memory_space<vmem>>, %arg20: memref<1280x64xf32, #tpu.memory_space<vmem>>) attributes {dimension_semantics = [#tpu.dimension_semantics<arbitrary>], iteration_bounds = array<i64: 8>, scalar_prefetch = 0 : i64, scratch_operands = 0 : i64, tpu.core_type = #tpu.core_type<tc>, window_params = [{transform_indices = @transform_0, window_bounds = array<i64: 1280, 64>}, {transform_indices = @transform_1, window_bounds = array<i64: 1280, 64>}, {transform_indices = @transform_2, window_bounds = array<i64: 1280, 64>}, {transform_indices = @transform_3, window_bounds = array<i64: 1280, 64>}, {transform_indices = @transform_4, window_bounds = array<i64: 1280, 64>}, {transform_indices = @transform_5, window_bounds = array<i64: 1280, 64>}, {transform_indices = @transform_6, window_bounds = array<i64: 1280, 128>}, {transform_indices = @transform_7, window_bounds = array<i64: 1280, 1>}, {transform_indices = @transform_8, window_bounds = array<i64: 1280, 1>}, {pipeline_mode = #tpu.pipeline_mode<synchronous>, transform_indices = @transform_9, window_bounds = array<i64: 1, 128>}, {pipeline_mode = #tpu.pipeline_mode<synchronous>, transform_indices = @transform_10, window_bounds = array<i64: 1, 128>}, {pipeline_mode = #tpu.pipeline_mode<synchronous>, transform_indices = @transform_11, window_bounds = array<i64: 128, 128>}, {pipeline_mode = #tpu.pipeline_mode<synchronous>, transform_indices = @transform_12, window_bounds = array<i64: 1, 128>}, {pipeline_mode = #tpu.pipeline_mode<synchronous>, transform_indices = @transform_13, window_bounds = array<i64: 128, 128>}, {pipeline_mode = #tpu.pipeline_mode<synchronous>, transform_indices = @transform_14, window_bounds = array<i64: 1, 128>}, {transform_indices = @transform_15, window_bounds = array<i64: 1280, 1>}, {transform_indices = @transform_16, window_bounds = array<i64: 1280, 1>}, {transform_indices = @transform_17, window_bounds = array<i64: 1280, 128>}, {transform_indices = @transform_18, window_bounds = array<i64: 1280, 64>}, {transform_indices = @transform_19, window_bounds = array<i64: 1280, 64>}]} {
    %get3A = arith.constant 0 : index
    %get3A_0 = arith.constant 0 : index
    %get3A_1 = vector.load %arg1[%get3A, %get3A_0] : memref<1280x64xf32, #tpu.memory_space<vmem>>, vector<1280x64xf32>
    %get3A_2 = arith.constant 0 : index
    %get3A_3 = arith.constant 0 : index
    %get3A_4 = vector.load %arg2[%get3A_2, %get3A_3] : memref<1280x64xf32, #tpu.memory_space<vmem>>, vector<1280x64xf32>
    %add3A = arith.addf %get3A_1, %get3A_4 : vector<1280x64xf32>
    %get3A_5 = arith.constant 0 : index
    %get3A_6 = arith.constant 0 : index
    %get3A_7 = vector.load %arg5[%get3A_5, %get3A_6] : memref<1280x64xf32, #tpu.memory_space<vmem>>, vector<1280x64xf32>
    %add3A_8 = arith.addf %add3A, %get3A_7 : vector<1280x64xf32>
    %get3A_9 = arith.constant 0 : index
    %get3A_10 = arith.constant 0 : index
    %get3A_11 = vector.load %arg3[%get3A_9, %get3A_10] : memref<1280x64xf32, #tpu.memory_space<vmem>>, vector<1280x64xf32>
    %get3A_12 = arith.constant 0 : index
    %get3A_13 = arith.constant 0 : index
    %get3A_14 = vector.load %arg4[%get3A_12, %get3A_13] : memref<1280x64xf32, #tpu.memory_space<vmem>>, vector<1280x64xf32>
    %add3A_15 = arith.addf %get3A_11, %get3A_14 : vector<1280x64xf32>
    %get3A_16 = arith.constant 0 : index
    %get3A_17 = arith.constant 0 : index
    %get3A_18 = vector.load %arg6[%get3A_16, %get3A_17] : memref<1280x64xf32, #tpu.memory_space<vmem>>, vector<1280x64xf32>
    %add3A_19 = arith.addf %add3A_15, %get3A_18 : vector<1280x64xf32>
    %concatenate3A = tpu.concatenate %add3A_8, %add3A_19 in 1 : vector<1280x64xf32>, vector<1280x64xf32> -> vector<1280x128xf32>
    %get3A_20 = arith.constant 0 : index
    %get3A_21 = arith.constant 0 : index
    %get3A_22 = vector.load %arg8[%get3A_20, %get3A_21] : memref<1280x1xf32, #tpu.memory_space<vmem>>, vector<1280x1xf32>
    %get3A_23 = arith.constant 0 : index
    %get3A_24 = arith.constant 0 : index
    %get3A_25 = vector.load %arg9[%get3A_23, %get3A_24] : memref<1280x1xf32, #tpu.memory_space<vmem>>, vector<1280x1xf32>
    %add3A_26 = arith.addf %get3A_22, %get3A_25 : vector<1280x1xf32>
    %add3A_27 = arith.constant 1.000000e+00 : f32
    %add3A_28 = vector.broadcast %add3A_27 : f32 to vector<1280x1xf32>
    %add3A_29 = arith.addf %add3A_26, %add3A_28 : vector<1280x1xf32>
    %rsqrt3A = math.rsqrt %add3A_29 : vector<1280x1xf32>
    %mul3A = vector.broadcast %rsqrt3A : vector<1280x1xf32> to vector<1280x128xf32>
    %mul3A_30 = arith.mulf %concatenate3A, %mul3A : vector<1280x128xf32>
    %get3A_31 = arith.constant 0 : index
    %get3A_32 = arith.constant 0 : index
    %get3A_33 = vector.load %arg7[%get3A_31, %get3A_32] : memref<1280x128xf32, #tpu.memory_space<vmem>>, vector<1280x128xf32>
    %add3A_34 = arith.addf %mul3A_30, %get3A_33 : vector<1280x128xf32>
    %reduce_sum3A = arith.constant dense<0.000000e+00> : vector<1280xf32>
    %reduce_sum3A_35 = vector.multi_reduction <add>, %add3A_34, %reduce_sum3A [1] : vector<1280x128xf32> to vector<1280xf32>
    %broadcast_in_dim3A = vector.shape_cast %reduce_sum3A_35 : vector<1280xf32> to vector<1280x1xf32>
    %div3A = arith.constant 1.280000e+02 : f32
    %div3A_36 = vector.broadcast %div3A : f32 to vector<1280x1xf32>
    %div3A_37 = arith.divf %broadcast_in_dim3A, %div3A_36 : vector<1280x1xf32>
    %sub3A = vector.broadcast %div3A_37 : vector<1280x1xf32> to vector<1280x128xf32>
    %sub3A_38 = arith.subf %add3A_34, %sub3A : vector<1280x128xf32>
    %integer_pow3A = arith.mulf %sub3A_38, %sub3A_38 : vector<1280x128xf32>
    %reduce_sum3A_39 = arith.constant dense<0.000000e+00> : vector<1280xf32>
    %reduce_sum3A_40 = vector.multi_reduction <add>, %integer_pow3A, %reduce_sum3A_39 [1] : vector<1280x128xf32> to vector<1280xf32>
    %broadcast_in_dim3A_41 = vector.shape_cast %reduce_sum3A_40 : vector<1280xf32> to vector<1280x1xf32>
    %div3A_42 = arith.constant 1.280000e+02 : f32
    %div3A_43 = vector.broadcast %div3A_42 : f32 to vector<1280x1xf32>
    %div3A_44 = arith.divf %broadcast_in_dim3A_41, %div3A_43 : vector<1280x1xf32>
    %sub3A_45 = vector.broadcast %div3A_37 : vector<1280x1xf32> to vector<1280x128xf32>
    %sub3A_46 = arith.subf %add3A_34, %sub3A_45 : vector<1280x128xf32>
    %add3A_47 = arith.constant 9.99999974E-6 : f32
    %add3A_48 = vector.broadcast %add3A_47 : f32 to vector<1280x1xf32>
    %add3A_49 = arith.addf %div3A_44, %add3A_48 : vector<1280x1xf32>
    %rsqrt3A_50 = math.rsqrt %add3A_49 : vector<1280x1xf32>
    %mul3A_51 = vector.broadcast %rsqrt3A_50 : vector<1280x1xf32> to vector<1280x128xf32>
    %mul3A_52 = arith.mulf %sub3A_46, %mul3A_51 : vector<1280x128xf32>
    %get3A_53 = arith.constant 0 : index
    %get3A_54 = arith.constant 0 : index
    %get3A_55 = vector.load %arg10[%get3A_53, %get3A_54] : memref<1x128xf32, #tpu.memory_space<vmem>>, vector<1x128xf32>
    %mul3A_56 = vector.broadcast %get3A_55 : vector<1x128xf32> to vector<1280x128xf32>
    %mul3A_57 = arith.mulf %mul3A_52, %mul3A_56 : vector<1280x128xf32>
    %get3A_58 = arith.constant 0 : index
    %get3A_59 = arith.constant 0 : index
    %get3A_60 = vector.load %arg11[%get3A_58, %get3A_59] : memref<1x128xf32, #tpu.memory_space<vmem>>, vector<1x128xf32>
    %add3A_61 = vector.broadcast %get3A_60 : vector<1x128xf32> to vector<1280x128xf32>
    %add3A_62 = arith.addf %mul3A_57, %add3A_61 : vector<1280x128xf32>
    %swap3A = arith.constant 0 : index
    %swap3A_63 = arith.constant 0 : index
    %swap3A_64 = vector.load %arg18[%swap3A, %swap3A_63] : memref<1280x128xf32, #tpu.memory_space<vmem>>, vector<1280x128xf32>
    tpu.vector_store %arg18[%swap3A, %swap3A_63], %add3A_62 {strides = array<i32>} : memref<1280x128xf32, #tpu.memory_space<vmem>>, vector<1280x128xf32>,
    %get3A_65 = arith.constant 0 : index
    %get3A_66 = arith.constant 0 : index
    %get3A_67 = vector.load %arg12[%get3A_65, %get3A_66] : memref<128x128xf32, #tpu.memory_space<vmem>>, vector<128x128xf32>
    %get3A_68 = arith.constant 0 : index
    %get3A_69 = arith.constant 0 : index
    %get3A_70 = vector.load %arg13[%get3A_68, %get3A_69] : memref<1x128xf32, #tpu.memory_space<vmem>>, vector<1x128xf32>
    %get3A_71 = arith.constant 0 : index
    %get3A_72 = arith.constant 0 : index
    %get3A_73 = vector.load %arg14[%get3A_71, %get3A_72] : memref<128x128xf32, #tpu.memory_space<vmem>>, vector<128x128xf32>
    %get3A_74 = arith.constant 0 : index
    %get3A_75 = arith.constant 0 : index
    %get3A_76 = vector.load %arg15[%get3A_74, %get3A_75] : memref<1x128xf32, #tpu.memory_space<vmem>>, vector<1x128xf32>
    %dot_general3A = arith.constant dense<0.000000e+00> : vector<1280x128xf32>
    %dot_general3A_77 = tpu.matmul %add3A_62, %get3A_67, %dot_general3A {dimension_numbers = #tpu.dot_dimension_numbers<[1], [0], [0], [1], [0, 0, 1, 1], [], []>, transpose_lhs_hint = false} : vector<1280x128xf32>, vector<128x128xf32>, vector<1280x128xf32> -> vector<1280x128xf32>
    %add3A_78 = vector.broadcast %get3A_70 : vector<1x128xf32> to vector<1280x128xf32>
    %add3A_79 = arith.addf %dot_general3A_77, %add3A_78 : vector<1280x128xf32>
    %max3A = arith.constant 0.000000e+00 : f32
    %max3A_80 = vector.broadcast %max3A : f32 to vector<1280x128xf32>
    %max3A_81 = arith.maximumf %add3A_79, %max3A_80 : vector<1280x128xf32>
    %dot_general3A_82 = arith.constant dense<0.000000e+00> : vector<1280x128xf32>
    %dot_general3A_83 = tpu.matmul %max3A_81, %get3A_73, %dot_general3A_82 {dimension_numbers = #tpu.dot_dimension_numbers<[1], [0], [0], [1], [0, 0, 1, 1], [], []>, transpose_lhs_hint = false} : vector<1280x128xf32>, vector<128x128xf32>, vector<1280x128xf32> -> vector<1280x128xf32>
    %add3A_84 = vector.broadcast %get3A_76 : vector<1x128xf32> to vector<1280x128xf32>
    %add3A_85 = arith.addf %dot_general3A_83, %add3A_84 : vector<1280x128xf32>
    %max3A_86 = arith.constant 0.000000e+00 : f32
    %max3A_87 = vector.broadcast %max3A_86 : f32 to vector<1280x128xf32>
    %max3A_88 = arith.maximumf %add3A_85, %max3A_87 : vector<1280x128xf32>
    %get3A_89 = arith.constant 0 : index
    %get3A_90 = arith.constant 0 : index
    %get3A_91 = vector.load %arg16[%get3A_89, %get3A_90] : memref<1280x1xf32, #tpu.memory_space<vmem>>, vector<1280x1xf32>
    %get3A_92 = arith.constant 0 : index
    %get3A_93 = arith.constant 0 : index
    %get3A_94 = vector.load %arg17[%get3A_92, %get3A_93] : memref<1280x1xf32, #tpu.memory_space<vmem>>, vector<1280x1xf32>
    %add3A_95 = arith.addf %get3A_91, %get3A_94 : vector<1280x1xf32>
    %add3A_96 = arith.constant 1.000000e+00 : f32
    %add3A_97 = vector.broadcast %add3A_96 : f32 to vector<1280x1xf32>
    %add3A_98 = arith.addf %add3A_95, %add3A_97 : vector<1280x1xf32>
    %rsqrt3A_99 = math.rsqrt %add3A_98 : vector<1280x1xf32>
    %mul3A_100 = vector.broadcast %rsqrt3A_99 : vector<1280x1xf32> to vector<1280x128xf32>
    %mul3A_101 = arith.mulf %max3A_88, %mul3A_100 : vector<1280x128xf32>
    %slice3A = vector.extract_strided_slice %mul3A_101 {offsets = [0, 0], sizes = [1280, 64], strides = [1, 1]} : vector<1280x128xf32> to vector<1280x64xf32>
    %swap3A_102 = arith.constant 0 : index
    %swap3A_103 = arith.constant 0 : index
    %swap3A_104 = vector.load %arg19[%swap3A_102, %swap3A_103] : memref<1280x64xf32, #tpu.memory_space<vmem>>, vector<1280x64xf32>
    tpu.vector_store %arg19[%swap3A_102, %swap3A_103], %slice3A {strides = array<i32>} : memref<1280x64xf32, #tpu.memory_space<vmem>>, vector<1280x64xf32>,
    %slice3A_105 = vector.extract_strided_slice %mul3A_101 {offsets = [0, 64], sizes = [1280, 64], strides = [1, 1]} : vector<1280x128xf32> to vector<1280x64xf32>
    %swap3A_106 = arith.constant 0 : index
    %swap3A_107 = arith.constant 0 : index
    %swap3A_108 = vector.load %arg20[%swap3A_106, %swap3A_107] : memref<1280x64xf32, #tpu.memory_space<vmem>>, vector<1280x64xf32>
    tpu.vector_store %arg20[%swap3A_106, %swap3A_107], %slice3A_105 {strides = array<i32>} : memref<1280x64xf32, #tpu.memory_space<vmem>>, vector<1280x64xf32>,
    return
  }
  func.func @transform_0(%arg0: i32) -> (i32, i32) {
    %c0_i32 = arith.constant 0 : i32
    %c0_i32_0 = arith.constant 0 : i32
    return %arg0, %c0_i32 : i32, i32
  }
  func.func @transform_1(%arg0: i32) -> (i32, i32) {
    %c0_i32 = arith.constant 0 : i32
    %c0_i32_0 = arith.constant 0 : i32
    return %arg0, %c0_i32 : i32, i32
  }
  func.func @transform_2(%arg0: i32) -> (i32, i32) {
    %c0_i32 = arith.constant 0 : i32
    %c0_i32_0 = arith.constant 0 : i32
    return %arg0, %c0_i32 : i32, i32
  }
  func.func @transform_3(%arg0: i32) -> (i32, i32) {
    %c0_i32 = arith.constant 0 : i32
    %c0_i32_0 = arith.constant 0 : i32
    return %arg0, %c0_i32 : i32, i32
  }
  func.func @transform_4(%arg0: i32) -> (i32, i32) {
    %c0_i32 = arith.constant 0 : i32
    %c0_i32_0 = arith.constant 0 : i32
    return %arg0, %c0_i32 : i32, i32
  }
  func.func @transform_5(%arg0: i32) -> (i32, i32) {
    %c0_i32 = arith.constant 0 : i32
    %c0_i32_0 = arith.constant 0 : i32
    return %arg0, %c0_i32 : i32, i32
  }
  func.func @transform_6(%arg0: i32) -> (i32, i32) {
    %c0_i32 = arith.constant 0 : i32
    %c0_i32_0 = arith.constant 0 : i32
    return %arg0, %c0_i32 : i32, i32
  }
  func.func @transform_7(%arg0: i32) -> (i32, i32) {
    %c0_i32 = arith.constant 0 : i32
    %c0_i32_0 = arith.constant 0 : i32
    return %arg0, %c0_i32 : i32, i32
  }
  func.func @transform_8(%arg0: i32) -> (i32, i32) {
    %c0_i32 = arith.constant 0 : i32
    %c0_i32_0 = arith.constant 0 : i32
    return %arg0, %c0_i32 : i32, i32
  }
  func.func @transform_9(%arg0: i32) -> (i32, i32) {
    %c0_i32 = arith.constant 0 : i32
    %c0_i32_0 = arith.constant 0 : i32
    %c0_i32_1 = arith.constant 0 : i32
    return %c0_i32, %c0_i32_0 : i32, i32
  }
  func.func @transform_10(%arg0: i32) -> (i32, i32) {
    %c0_i32 = arith.constant 0 : i32
    %c0_i32_0 = arith.constant 0 : i32
    %c0_i32_1 = arith.constant 0 : i32
    return %c0_i32, %c0_i32_0 : i32, i32
  }
  func.func @transform_11(%arg0: i32) -> (i32, i32) {
    %c0_i32 = arith.constant 0 : i32
    %c0_i32_0 = arith.constant 0 : i32
    %c0_i32_1 = arith.constant 0 : i32
    return %c0_i32, %c0_i32_0 : i32, i32
  }
  func.func @transform_12(%arg0: i32) -> (i32, i32) {
    %c0_i32 = arith.constant 0 : i32
    %c0_i32_0 = arith.constant 0 : i32
    %c0_i32_1 = arith.constant 0 : i32
    return %c0_i32, %c0_i32_0 : i32, i32
  }
  func.func @transform_13(%arg0: i32) -> (i32, i32) {
    %c0_i32 = arith.constant 0 : i32
    %c0_i32_0 = arith.constant 0 : i32
    %c0_i32_1 = arith.constant 0 : i32
    return %c0_i32, %c0_i32_0 : i32, i32
  }
  func.func @transform_14(%arg0: i32) -> (i32, i32) {
    %c0_i32 = arith.constant 0 : i32
    %c0_i32_0 = arith.constant 0 : i32
    %c0_i32_1 = arith.constant 0 : i32
    return %c0_i32, %c0_i32_0 : i32, i32
  }
  func.func @transform_15(%arg0: i32) -> (i32, i32) {
    %c0_i32 = arith.constant 0 : i32
    %c0_i32_0 = arith.constant 0 : i32
    return %arg0, %c0_i32 : i32, i32
  }
  func.func @transform_16(%arg0: i32) -> (i32, i32) {
    %c0_i32 = arith.constant 0 : i32
    %c0_i32_0 = arith.constant 0 : i32
    return %arg0, %c0_i32 : i32, i32
  }
  func.func @transform_17(%arg0: i32) -> (i32, i32) {
    %c0_i32 = arith.constant 0 : i32
    %c0_i32_0 = arith.constant 0 : i32
    return %arg0, %c0_i32 : i32, i32
  }
  func.func @transform_18(%arg0: i32) -> (i32, i32) {
    %c0_i32 = arith.constant 0 : i32
    %c0_i32_0 = arith.constant 0 : i32
    return %arg0, %c0_i32 : i32, i32
  }
  func.func @transform_19(%arg0: i32) -> (i32, i32) {
    %c0_i32 = arith.constant 0 : i32
    %c0_i32_0 = arith.constant 0 : i32
    return %arg0, %c0_i32 : i32, i32
  }
}

module attributes {stable_mosaic.version = 14 : i64} {
  func.func @_f2_body(%arg0: i32, %arg1: memref<2048x64xf32, #tpu.memory_space<vmem>>, %arg2: memref<2048x64xf32, #tpu.memory_space<vmem>>, %arg3: memref<2048x64xf32, #tpu.memory_space<vmem>>, %arg4: memref<2048x64xf32, #tpu.memory_space<vmem>>, %arg5: memref<2048x64xf32, #tpu.memory_space<vmem>>, %arg6: memref<2048x64xf32, #tpu.memory_space<vmem>>, %arg7: memref<2048x128xf32, #tpu.memory_space<vmem>>, %arg8: memref<2048x1xf32, #tpu.memory_space<vmem>>, %arg9: memref<2048x1xf32, #tpu.memory_space<vmem>>, %arg10: memref<1x128xf32, #tpu.memory_space<vmem>>, %arg11: memref<1x128xf32, #tpu.memory_space<vmem>>, %arg12: memref<2000x128xf32, #tpu.memory_space<vmem>>, %arg13: memref<128x128xf32, #tpu.memory_space<vmem>>, %arg14: memref<1x128xf32, #tpu.memory_space<vmem>>, %arg15: memref<2048x128xf32, #tpu.memory_space<vmem>>, %arg16: memref<2000x128xf32, #tpu.memory_space<vmem>>, %arg17: memref<1x128xf32, #tpu.memory_space<vmem>>, %arg18: memref<1x128xf32, #tpu.memory_space<vmem>>) attributes {dimension_semantics = [#tpu.dimension_semantics<arbitrary>], iteration_bounds = array<i64: 5>, scalar_prefetch = 0 : i64, scratch_operands = 1 : i64, tpu.core_type = #tpu.core_type<tc>, window_params = [{transform_indices = @transform_0, window_bounds = array<i64: 2048, 64>}, {transform_indices = @transform_1, window_bounds = array<i64: 2048, 64>}, {transform_indices = @transform_2, window_bounds = array<i64: 2048, 64>}, {transform_indices = @transform_3, window_bounds = array<i64: 2048, 64>}, {transform_indices = @transform_4, window_bounds = array<i64: 2048, 64>}, {transform_indices = @transform_5, window_bounds = array<i64: 2048, 64>}, {transform_indices = @transform_6, window_bounds = array<i64: 2048, 128>}, {transform_indices = @transform_7, window_bounds = array<i64: 2048, 1>}, {transform_indices = @transform_8, window_bounds = array<i64: 2048, 1>}, {pipeline_mode = #tpu.pipeline_mode<synchronous>, transform_indices = @transform_9, window_bounds = array<i64: 1, 128>}, {pipeline_mode = #tpu.pipeline_mode<synchronous>, transform_indices = @transform_10, window_bounds = array<i64: 1, 128>}, {transform_indices = @transform_11, window_bounds = array<i64: 2000, 128>}, {pipeline_mode = #tpu.pipeline_mode<synchronous>, transform_indices = @transform_12, window_bounds = array<i64: 128, 128>}, {pipeline_mode = #tpu.pipeline_mode<synchronous>, transform_indices = @transform_13, window_bounds = array<i64: 1, 128>}, {transform_indices = @transform_14, window_bounds = array<i64: 2048, 128>}, {transform_indices = @transform_15, window_bounds = array<i64: 2000, 128>}, {pipeline_mode = #tpu.pipeline_mode<synchronous>, transform_indices = @transform_16, window_bounds = array<i64: 1, 128>}]} {
    %get3A = arith.constant 0 : index
    %get3A_0 = arith.constant 0 : index
    %get3A_1 = vector.load %arg1[%get3A, %get3A_0] : memref<2048x64xf32, #tpu.memory_space<vmem>>, vector<2048x64xf32>
    %get3A_2 = arith.constant 0 : index
    %get3A_3 = arith.constant 0 : index
    %get3A_4 = vector.load %arg2[%get3A_2, %get3A_3] : memref<2048x64xf32, #tpu.memory_space<vmem>>, vector<2048x64xf32>
    %add3A = arith.addf %get3A_1, %get3A_4 : vector<2048x64xf32>
    %get3A_5 = arith.constant 0 : index
    %get3A_6 = arith.constant 0 : index
    %get3A_7 = vector.load %arg5[%get3A_5, %get3A_6] : memref<2048x64xf32, #tpu.memory_space<vmem>>, vector<2048x64xf32>
    %add3A_8 = arith.addf %add3A, %get3A_7 : vector<2048x64xf32>
    %get3A_9 = arith.constant 0 : index
    %get3A_10 = arith.constant 0 : index
    %get3A_11 = vector.load %arg3[%get3A_9, %get3A_10] : memref<2048x64xf32, #tpu.memory_space<vmem>>, vector<2048x64xf32>
    %get3A_12 = arith.constant 0 : index
    %get3A_13 = arith.constant 0 : index
    %get3A_14 = vector.load %arg4[%get3A_12, %get3A_13] : memref<2048x64xf32, #tpu.memory_space<vmem>>, vector<2048x64xf32>
    %add3A_15 = arith.addf %get3A_11, %get3A_14 : vector<2048x64xf32>
    %get3A_16 = arith.constant 0 : index
    %get3A_17 = arith.constant 0 : index
    %get3A_18 = vector.load %arg6[%get3A_16, %get3A_17] : memref<2048x64xf32, #tpu.memory_space<vmem>>, vector<2048x64xf32>
    %add3A_19 = arith.addf %add3A_15, %get3A_18 : vector<2048x64xf32>
    %concatenate3A = tpu.concatenate %add3A_8, %add3A_19 in 1 : vector<2048x64xf32>, vector<2048x64xf32> -> vector<2048x128xf32>
    %get3A_20 = arith.constant 0 : index
    %get3A_21 = arith.constant 0 : index
    %get3A_22 = vector.load %arg8[%get3A_20, %get3A_21] : memref<2048x1xf32, #tpu.memory_space<vmem>>, vector<2048x1xf32>
    %get3A_23 = arith.constant 0 : index
    %get3A_24 = arith.constant 0 : index
    %get3A_25 = vector.load %arg9[%get3A_23, %get3A_24] : memref<2048x1xf32, #tpu.memory_space<vmem>>, vector<2048x1xf32>
    %add3A_26 = arith.addf %get3A_22, %get3A_25 : vector<2048x1xf32>
    %add3A_27 = arith.constant 1.000000e+00 : f32
    %add3A_28 = vector.broadcast %add3A_27 : f32 to vector<2048x1xf32>
    %add3A_29 = arith.addf %add3A_26, %add3A_28 : vector<2048x1xf32>
    %rsqrt3A = math.rsqrt %add3A_29 : vector<2048x1xf32>
    %mul3A = vector.broadcast %rsqrt3A : vector<2048x1xf32> to vector<2048x128xf32>
    %mul3A_30 = arith.mulf %concatenate3A, %mul3A : vector<2048x128xf32>
    %get3A_31 = arith.constant 0 : index
    %get3A_32 = arith.constant 0 : index
    %get3A_33 = vector.load %arg7[%get3A_31, %get3A_32] : memref<2048x128xf32, #tpu.memory_space<vmem>>, vector<2048x128xf32>
    %add3A_34 = arith.addf %mul3A_30, %get3A_33 : vector<2048x128xf32>
    %reduce_sum3A = arith.constant dense<0.000000e+00> : vector<2048xf32>
    %reduce_sum3A_35 = vector.multi_reduction <add>, %add3A_34, %reduce_sum3A [1] : vector<2048x128xf32> to vector<2048xf32>
    %broadcast_in_dim3A = vector.shape_cast %reduce_sum3A_35 : vector<2048xf32> to vector<2048x1xf32>
    %div3A = arith.constant 1.280000e+02 : f32
    %div3A_36 = vector.broadcast %div3A : f32 to vector<2048x1xf32>
    %div3A_37 = arith.divf %broadcast_in_dim3A, %div3A_36 : vector<2048x1xf32>
    %sub3A = vector.broadcast %div3A_37 : vector<2048x1xf32> to vector<2048x128xf32>
    %sub3A_38 = arith.subf %add3A_34, %sub3A : vector<2048x128xf32>
    %integer_pow3A = arith.mulf %sub3A_38, %sub3A_38 : vector<2048x128xf32>
    %reduce_sum3A_39 = arith.constant dense<0.000000e+00> : vector<2048xf32>
    %reduce_sum3A_40 = vector.multi_reduction <add>, %integer_pow3A, %reduce_sum3A_39 [1] : vector<2048x128xf32> to vector<2048xf32>
    %broadcast_in_dim3A_41 = vector.shape_cast %reduce_sum3A_40 : vector<2048xf32> to vector<2048x1xf32>
    %div3A_42 = arith.constant 1.280000e+02 : f32
    %div3A_43 = vector.broadcast %div3A_42 : f32 to vector<2048x1xf32>
    %div3A_44 = arith.divf %broadcast_in_dim3A_41, %div3A_43 : vector<2048x1xf32>
    %sub3A_45 = vector.broadcast %div3A_37 : vector<2048x1xf32> to vector<2048x128xf32>
    %sub3A_46 = arith.subf %add3A_34, %sub3A_45 : vector<2048x128xf32>
    %add3A_47 = arith.constant 9.99999974E-6 : f32
    %add3A_48 = vector.broadcast %add3A_47 : f32 to vector<2048x1xf32>
    %add3A_49 = arith.addf %div3A_44, %add3A_48 : vector<2048x1xf32>
    %rsqrt3A_50 = math.rsqrt %add3A_49 : vector<2048x1xf32>
    %mul3A_51 = vector.broadcast %rsqrt3A_50 : vector<2048x1xf32> to vector<2048x128xf32>
    %mul3A_52 = arith.mulf %sub3A_46, %mul3A_51 : vector<2048x128xf32>
    %get3A_53 = arith.constant 0 : index
    %get3A_54 = arith.constant 0 : index
    %get3A_55 = vector.load %arg10[%get3A_53, %get3A_54] : memref<1x128xf32, #tpu.memory_space<vmem>>, vector<1x128xf32>
    %mul3A_56 = vector.broadcast %get3A_55 : vector<1x128xf32> to vector<2048x128xf32>
    %mul3A_57 = arith.mulf %mul3A_52, %mul3A_56 : vector<2048x128xf32>
    %get3A_58 = arith.constant 0 : index
    %get3A_59 = arith.constant 0 : index
    %get3A_60 = vector.load %arg11[%get3A_58, %get3A_59] : memref<1x128xf32, #tpu.memory_space<vmem>>, vector<1x128xf32>
    %add3A_61 = vector.broadcast %get3A_60 : vector<1x128xf32> to vector<2048x128xf32>
    %add3A_62 = arith.addf %mul3A_57, %add3A_61 : vector<2048x128xf32>
    %swap3A = arith.constant 0 : index
    %swap3A_63 = arith.constant 0 : index
    %swap3A_64 = vector.load %arg15[%swap3A, %swap3A_63] : memref<2048x128xf32, #tpu.memory_space<vmem>>, vector<2048x128xf32>
    tpu.vector_store %arg15[%swap3A, %swap3A_63], %add3A_62 {strides = array<i32>} : memref<2048x128xf32, #tpu.memory_space<vmem>>, vector<2048x128xf32>,
    %get3A_65 = arith.constant 0 : index
    %get3A_66 = arith.constant 0 : index
    %get3A_67 = vector.load %arg12[%get3A_65, %get3A_66] : memref<2000x128xf32, #tpu.memory_space<vmem>>, vector<2000x128xf32>
    %mul3A_68 = arith.constant 4.000000e+00 : f32
    %mul3A_69 = vector.broadcast %mul3A_68 : f32 to vector<2000x128xf32>
    %mul3A_70 = arith.mulf %get3A_67, %mul3A_69 : vector<2000x128xf32>
    %swap3A_71 = arith.constant 0 : index
    %swap3A_72 = arith.constant 0 : index
    %swap3A_73 = vector.load %arg16[%swap3A_71, %swap3A_72] : memref<2000x128xf32, #tpu.memory_space<vmem>>, vector<2000x128xf32>
    tpu.vector_store %arg16[%swap3A_71, %swap3A_72], %mul3A_70 {strides = array<i32>} : memref<2000x128xf32, #tpu.memory_space<vmem>>, vector<2000x128xf32>,
    %mul3A_74 = arith.constant 2048 : i32
    %mul3A_75 = arith.muli %arg0, %mul3A_74 : i32
    %iota3A = tpu.iota {dimensions = array<i32: 0>} : vector<2048x1xi32>
    %add3A_76 = vector.broadcast %mul3A_75 : i32 to vector<2048x1xi32>
    %add3A_77 = arith.addi %add3A_76, %iota3A : vector<2048x1xi32>
    %convert_element_type3A = arith.sitofp %add3A_77 : vector<2048x1xi32> to vector<2048x1xf32>
    %lt3A = arith.constant 1.000000e+04 : f32
    %lt3A_78 = vector.broadcast %lt3A : f32 to vector<2048x1xf32>
    %lt3A_79 = arith.cmpf olt, %convert_element_type3A, %lt3A_78 : vector<2048x1xf32>
    %jit3A = arith.constant 0.000000e+00 : f32
    %broadcast_in_dim3A_80 = vector.shape_cast %lt3A_79 : vector<2048x1xi1> to vector<2048x1xi1>
    %broadcast_in_dim3A_81 = vector.broadcast %broadcast_in_dim3A_80 : vector<2048x1xi1> to vector<2048x128xi1>
    %broadcast_in_dim3A_82 = vector.broadcast %jit3A : f32 to vector<2048x128xf32>
    %select_n3A = arith.select %broadcast_in_dim3A_81, %add3A_62, %broadcast_in_dim3A_82 : vector<2048x128xi1>, vector<2048x128xf32>
    %reduce_sum3A_83 = arith.constant dense<0.000000e+00> : vector<128xf32>
    %reduce_sum3A_84 = vector.multi_reduction <add>, %select_n3A, %reduce_sum3A_83 [0] : vector<2048x128xf32> to vector<128xf32>
    %broadcast_in_dim3A_85 = vector.shape_cast %reduce_sum3A_84 : vector<128xf32> to vector<1x128xf32>
    %eq3A = arith.constant 0 : i32
    %eq3A_86 = arith.cmpi eq, %arg0, %eq3A : i32
    %convert_element_type3A_87 = arith.extui %eq3A_86 : i1 to i32
    %cond3A = arith.constant 0 : i32
    %cond3A_88 = arith.cmpi ne, %convert_element_type3A_87, %cond3A : i32
    scf.if %cond3A_88 {
      %broadcast_in_dim3A_101 = arith.constant 0.000000e+00 : f32
      %broadcast_in_dim3A_102 = vector.broadcast %broadcast_in_dim3A_101 : f32 to vector<1x128xf32>
      %swap3A_103 = arith.constant 0 : index
      %swap3A_104 = arith.constant 0 : index
      %swap3A_105 = vector.load %arg18[%swap3A_103, %swap3A_104] : memref<1x128xf32, #tpu.memory_space<vmem>>, vector<1x128xf32>
      tpu.vector_store %arg18[%swap3A_103, %swap3A_104], %broadcast_in_dim3A_102 {strides = array<i32>} : memref<1x128xf32, #tpu.memory_space<vmem>>, vector<1x128xf32>,
    } else {
    }
    %get3A_89 = arith.constant 0 : index
    %get3A_90 = arith.constant 0 : index
    %get3A_91 = vector.load %arg18[%get3A_89, %get3A_90] : memref<1x128xf32, #tpu.memory_space<vmem>>, vector<1x128xf32>
    %add3A_92 = arith.addf %get3A_91, %broadcast_in_dim3A_85 : vector<1x128xf32>
    %swap3A_93 = arith.constant 0 : index
    %swap3A_94 = arith.constant 0 : index
    %swap3A_95 = vector.load %arg18[%swap3A_93, %swap3A_94] : memref<1x128xf32, #tpu.memory_space<vmem>>, vector<1x128xf32>
    tpu.vector_store %arg18[%swap3A_93, %swap3A_94], %add3A_92 {strides = array<i32>} : memref<1x128xf32, #tpu.memory_space<vmem>>, vector<1x128xf32>,
    %eq3A_96 = arith.constant 4 : i32
    %eq3A_97 = arith.cmpi eq, %arg0, %eq3A_96 : i32
    %convert_element_type3A_98 = arith.extui %eq3A_97 : i1 to i32
    %cond3A_99 = arith.constant 0 : i32
    %cond3A_100 = arith.cmpi ne, %convert_element_type3A_98, %cond3A_99 : i32
    scf.if %cond3A_100 {
      %get3A_101 = arith.constant 0 : index
      %get3A_102 = arith.constant 0 : index
      %get3A_103 = vector.load %arg18[%get3A_101, %get3A_102] : memref<1x128xf32, #tpu.memory_space<vmem>>, vector<1x128xf32>
      %mul3A_104 = arith.constant 9.99999974E-5 : f32
      %mul3A_105 = vector.broadcast %mul3A_104 : f32 to vector<1x128xf32>
      %mul3A_106 = arith.mulf %get3A_103, %mul3A_105 : vector<1x128xf32>
      %get3A_107 = arith.constant 0 : index
      %get3A_108 = arith.constant 0 : index
      %get3A_109 = vector.load %arg13[%get3A_107, %get3A_108] : memref<128x128xf32, #tpu.memory_space<vmem>>, vector<128x128xf32>
      %dot_general3A = arith.constant dense<0.000000e+00> : vector<1x128xf32>
      %dot_general3A_110 = tpu.matmul %mul3A_106, %get3A_109, %dot_general3A {dimension_numbers = #tpu.dot_dimension_numbers<[1], [0], [0], [1], [0, 0, 1, 1], [], []>, transpose_lhs_hint = false} : vector<1x128xf32>, vector<128x128xf32>, vector<1x128xf32> -> vector<1x128xf32>
      %get3A_111 = arith.constant 0 : index
      %get3A_112 = arith.constant 0 : index
      %get3A_113 = vector.load %arg14[%get3A_111, %get3A_112] : memref<1x128xf32, #tpu.memory_space<vmem>>, vector<1x128xf32>
      %add3A_114 = arith.addf %dot_general3A_110, %get3A_113 : vector<1x128xf32>
      %swap3A_115 = arith.constant 0 : index
      %swap3A_116 = arith.constant 0 : index
      %swap3A_117 = vector.load %arg17[%swap3A_115, %swap3A_116] : memref<1x128xf32, #tpu.memory_space<vmem>>, vector<1x128xf32>
      tpu.vector_store %arg17[%swap3A_115, %swap3A_116], %add3A_114 {strides = array<i32>} : memref<1x128xf32, #tpu.memory_space<vmem>>, vector<1x128xf32>,
    } else {
    }
    return
  }
  func.func @transform_0(%arg0: i32) -> (i32, i32) {
    %c0_i32 = arith.constant 0 : i32
    %c0_i32_0 = arith.constant 0 : i32
    return %arg0, %c0_i32 : i32, i32
  }
  func.func @transform_1(%arg0: i32) -> (i32, i32) {
    %c0_i32 = arith.constant 0 : i32
    %c0_i32_0 = arith.constant 0 : i32
    return %arg0, %c0_i32 : i32, i32
  }
  func.func @transform_2(%arg0: i32) -> (i32, i32) {
    %c0_i32 = arith.constant 0 : i32
    %c0_i32_0 = arith.constant 0 : i32
    return %arg0, %c0_i32 : i32, i32
  }
  func.func @transform_3(%arg0: i32) -> (i32, i32) {
    %c0_i32 = arith.constant 0 : i32
    %c0_i32_0 = arith.constant 0 : i32
    return %arg0, %c0_i32 : i32, i32
  }
  func.func @transform_4(%arg0: i32) -> (i32, i32) {
    %c0_i32 = arith.constant 0 : i32
    %c0_i32_0 = arith.constant 0 : i32
    return %arg0, %c0_i32 : i32, i32
  }
  func.func @transform_5(%arg0: i32) -> (i32, i32) {
    %c0_i32 = arith.constant 0 : i32
    %c0_i32_0 = arith.constant 0 : i32
    return %arg0, %c0_i32 : i32, i32
  }
  func.func @transform_6(%arg0: i32) -> (i32, i32) {
    %c0_i32 = arith.constant 0 : i32
    %c0_i32_0 = arith.constant 0 : i32
    return %arg0, %c0_i32 : i32, i32
  }
  func.func @transform_7(%arg0: i32) -> (i32, i32) {
    %c0_i32 = arith.constant 0 : i32
    %c0_i32_0 = arith.constant 0 : i32
    return %arg0, %c0_i32 : i32, i32
  }
  func.func @transform_8(%arg0: i32) -> (i32, i32) {
    %c0_i32 = arith.constant 0 : i32
    %c0_i32_0 = arith.constant 0 : i32
    return %arg0, %c0_i32 : i32, i32
  }
  func.func @transform_9(%arg0: i32) -> (i32, i32) {
    %c0_i32 = arith.constant 0 : i32
    %c0_i32_0 = arith.constant 0 : i32
    %c0_i32_1 = arith.constant 0 : i32
    return %c0_i32, %c0_i32_0 : i32, i32
  }
  func.func @transform_10(%arg0: i32) -> (i32, i32) {
    %c0_i32 = arith.constant 0 : i32
    %c0_i32_0 = arith.constant 0 : i32
    %c0_i32_1 = arith.constant 0 : i32
    return %c0_i32, %c0_i32_0 : i32, i32
  }
  func.func @transform_11(%arg0: i32) -> (i32, i32) {
    %c0_i32 = arith.constant 0 : i32
    %c0_i32_0 = arith.constant 0 : i32
    return %arg0, %c0_i32 : i32, i32
  }
  func.func @transform_12(%arg0: i32) -> (i32, i32) {
    %c0_i32 = arith.constant 0 : i32
    %c0_i32_0 = arith.constant 0 : i32
    %c0_i32_1 = arith.constant 0 : i32
    return %c0_i32, %c0_i32_0 : i32, i32
  }
  func.func @transform_13(%arg0: i32) -> (i32, i32) {
    %c0_i32 = arith.constant 0 : i32
    %c0_i32_0 = arith.constant 0 : i32
    %c0_i32_1 = arith.constant 0 : i32
    return %c0_i32, %c0_i32_0 : i32, i32
  }
  func.func @transform_14(%arg0: i32) -> (i32, i32) {
    %c0_i32 = arith.constant 0 : i32
    %c0_i32_0 = arith.constant 0 : i32
    return %arg0, %c0_i32 : i32, i32
  }
  func.func @transform_15(%arg0: i32) -> (i32, i32) {
    %c0_i32 = arith.constant 0 : i32
    %c0_i32_0 = arith.constant 0 : i32
    return %arg0, %c0_i32 : i32, i32
  }
  func.func @transform_16(%arg0: i32) -> (i32, i32) {
    %c0_i32 = arith.constant 0 : i32
    %c0_i32_0 = arith.constant 0 : i32
    %c0_i32_1 = arith.constant 0 : i32
    return %c0_i32, %c0_i32_0 : i32, i32
  }
}

</mosaic_0001>

<sc_bundles>
// kernel: kernel.11.cloned.1.call-start
scs
__scs_entry_jumppad:
0x0: {  	(pc) =	sbr.rel $0x88, $3  }
0x1: {  	(tag) =	ssettag $0x0;
	lr =	simm.s32 $0x1  }
0x2: {  	[smem:$0x3F95] =	sst lr;
	_ =	strace $0xD0000000  }
0x3: {  	_ = 	snop  }
0x4: {  	_ = 	snop  }
0x5: {  	_ = 	snop  }
0x6: {  	_ = 	snop  }
0x7: {  	_ = 	snop  }
__scs_overlays_trampoline_lowered:
0x8: {  	[smem:$0x3FA4] =	sst s0  }
0x9: {  	[smem:$0x3FA5] =	sst s1  }
0xa: {  	[smem:$0x3FA6] =	sst s2  }
0xb: {  	[smem:$0x3FA7] =	sst s3  }
0xc: {  	[smem:$0x3FA8] =	sst s4  }
0xd: {  	[smem:$0x3FA9] =	sst s5  }
0xe: {  	[smem:$0x3FAA] =	sst s6  }
0xf: {  	[smem:$0x3FAB] =	sst s7  }
0x10: {  	[smem:$0x3FAC] =	sst s8  }
0x11: {  	[smem:$0x3FAD] =	sst s9;
	s0 =	simm.s32 @!p0 $0x0  }
0x12: {  	s1 =	sld [smem:$0x3F93];
	s0 =	simm.s32 @p0 $0x1  }
0x13: {  	[smem:$0x3FAE] =	sst s0;
	s0 =	simm.s32 @!p1 $0x0  }
0x14: {  	s2 =	sld [smem:$0x3F92];
	s0 =	simm.s32 @p1 $0x1  }
0x15: {  	[smem:$0x3FAF] =	sst s0;
	s0 =	simm.s32 @!p2 $0x0  }
0x16: {  	s3 =	sld [smem:$0x3FDB];
	s0 =	simm.s32 @p2 $0x1  }
0x17: {  	s4 =	simm.s32 $0x1BF5;
	[smem:$0x3FB1] =	sst s0  }
0x18: {  	s0 =	sld [smem:$0x3F94];
	_ =	swait.ge [sflag:s4], $0x0  }
0x19: {  	s7 =	sld [smem:$0x3F95]  }
0x1a: {  	s8 =	sadd.s32 $0xFFFFE003, lr  }
0x1b: {  	s9 =	sadd.s32 $0xFFFFFEF7, lr;
	s5 =	simm.s32 $0xFFFFFFFF;
	p2 =	slt.u32 s8, $0xFFFFF086  }
0x1c: {  	p1 =	slt.u32 s9, $0xF7A;
	s5 =	simm.s32 @!p2 $0x0  }
0x1d: {  	s5 =	simm.s32 @p1 $0x1;
	p0 =	seq.s32 s7, s2  }
0x1e: {  	s7 =	smul.u32 @!p0 $0xF7A, s2;
	p2 =	seq.s32 @!p0 s5, $0x0  }
0x1f: {  	s9 =	smul.u32 $0xF7A, s1;
	s8 =	simm.s32 @!p0 $0x1BF5;
	p2 =	por !p2, p0  }
0x20: {  	[sflag:s8] =	ssyncset.s32 @!p0 $0xFFFFF086;
	s6 =	sadd.s32 @!p0 s3, s7;
	s7 =	simm.s32 @!p0 $0x108  }
0x21: {  	s3 =	sadd.s32 s3, s9;
	s6 =	sadd.s32 @!p0 $0x88, s6;
	s7 =	simm.s32 @p2 $0x1082  }
0x22: {  	[simem:s7], [sflag:s8] =	dma.local @!p0 [hbm:s6], $0xF7A  }
0x23: {  	s9 =	sor.u32 $0xD0000000, s2;
	s6 =	simm.s32 $0x108;
	_ =	swait.ge @!p0 [sflag:s8], $0x0  }
0x24: {  	s3 =	sadd.s32 $0x88, s3;
	s6 =	simm.s32 @!p1 $0x1082;
	[sflag:s4] =	ssyncset.s32 $0xFFFFF086  }
0x25: {  	[simem:s6], [sflag:s4] =	dma.local [hbm:s3], $0xF7A  }
0x26: {  	[smem:$0x3F95] =	sst s1;
	(tag) =	ssettag s2;
	_ =	strace s9  }
0x27: {  	s1 =	sld [smem:$0x3FA5]  }
0x28: {  	s2 =	sld [smem:$0x3FA6]  }
0x29: {  	s4 =	sld [smem:$0x3FA8]  }
0x2a: {  	p0 =	seq.s32 s5, $0x0;
	s5 =	sld [smem:$0x3FA9]  }
0x2b: {  	s6 =	sld [smem:$0x3FAA]  }
0x2c: {  	s7 =	sld [smem:$0x3FAB]  }
0x2d: {  	s3 =	simm.s32 $0x108;
	s8 =	sld [smem:$0x3FAC]  }
0x2e: {  	s3 =	simm.s32 @!p0 $0x1082;
	s9 =	sld [smem:$0x3FAD]  }
0x2f: {  	lr =	sadd.s32 s0, s3;
	s0 =	sld [smem:$0x3FA4]  }
0x30: {  	s3 =	sld [smem:$0x3FA7]  }
0x31: {  	[smem:$0x3FB0] =	sst s10  }
0x32: {  	s10 =	sld [smem:$0x3FAE];
	_ =	sdelay $0x3  }
0x33: {  	p0 =	seq.s32 s10, $0x1;
	s10 =	sld [smem:$0x3FB0];
	_ =	sdelay $0x3  }
0x34: {  	[smem:$0x3FB0] =	sst s10  }
0x35: {  	s10 =	sld [smem:$0x3FAF];
	_ =	sdelay $0x3  }
0x36: {  	p1 =	seq.s32 s10, $0x1;
	s10 =	sld [smem:$0x3FB0];
	_ =	sdelay $0x3  }
0x37: {  	[smem:$0x3FB0] =	sst s10  }
0x38: {  	s10 =	sld [smem:$0x3FB1]  }
0x39: {  	_ = 	snop;
	(pc) =	sbr.ind lr, $3  }
0x3a: {  	_ = 	snop  }
0x3b: {  	_ = 	snop  }
0x3c: {  	p2 =	seq.s32 s10, $0x1;
	s10 =	sld [smem:$0x3FB0]  }
0x3d: {  	_ =	shalt  }
0x3e: {  	_ =	shalt  }
0x3f: {  	_ =	shalt  }
0x40: {  	_ =	shalt  }
0x41: {  	_ =	shalt  }
0x42: {  	_ =	shalt  }
0x43: {  	_ =	shalt  }
0x44: {  	_ =	shalt  }
0x45: {  	_ =	shalt  }
0x46: {  	_ =	shalt  }
0x47: {  	_ =	shalt  }
0x48: {  	_ =	shalt  }
0x49: {  	_ =	shalt  }
0x4a: {  	_ =	shalt  }
0x4b: {  	_ =	shalt  }
0x4c: {  	_ =	shalt  }
0x4d: {  	_ =	shalt  }
0x4e: {  	_ =	shalt  }
0x4f: {  	_ =	shalt  }
0x50: {  	_ =	shalt  }
0x51: {  	_ =	shalt  }
0x52: {  	_ =	shalt  }
0x53: {  	_ =	shalt  }
0x54: {  	_ =	shalt  }
0x55: {  	_ =	shalt  }
0x56: {  	_ =	shalt  }
0x57: {  	_ =	shalt  }
0x58: {  	_ =	shalt  }
0x59: {  	_ =	shalt  }
0x5a: {  	_ =	shalt  }
0x5b: {  	_ =	shalt  }
0x5c: {  	_ =	shalt  }
0x5d: {  	_ =	shalt  }
0x5e: {  	_ =	shalt  }
0x5f: {  	_ =	shalt  }
0x60: {  	_ =	shalt  }
0x61: {  	_ =	shalt  }
0x62: {  	_ =	shalt  }
0x63: {  	_ =	shalt  }
0x64: {  	_ =	shalt  }
0x65: {  	_ =	shalt  }
0x66: {  	_ =	shalt  }
0x67: {  	_ =	shalt  }
0x68: {  	_ =	shalt  }
0x69: {  	_ =	shalt  }
0x6a: {  	_ =	shalt  }
0x6b: {  	_ =	shalt  }
0x6c: {  	_ =	shalt  }
0x6d: {  	_ =	shalt  }
0x6e: {  	_ =	shalt  }
0x6f: {  	_ =	shalt  }
0x70: {  	_ =	shalt  }
0x71: {  	_ =	shalt  }
0x72: {  	_ =	shalt  }
0x73: {  	_ =	shalt  }
0x74: {  	_ =	shalt  }
0x75: {  	_ =	shalt  }
0x76: {  	_ =	shalt  }
0x77: {  	_ =	shalt  }
0x78: {  	_ =	shalt  }
0x79: {  	_ =	shalt  }
0x7a: {  	_ =	shalt  }
0x7b: {  	_ =	shalt  }
0x7c: {  	_ =	shalt  }
0x7d: {  	_ =	shalt  }
0x7e: {  	_ =	shalt  }
0x7f: {  	_ =	shalt  }
0x80: {  	_ =	shalt  }
0x81: {  	_ =	shalt  }
0x82: {  	_ =	shalt  }
0x83: {  	_ =	shalt  }
0x84: {  	_ =	shalt  }
0x85: {  	_ =	shalt  }
0x86: {  	_ =	shalt  }
0x87: {  	_ =	shalt  }
.Lfunc_end0:
.L_simem_size_0:
called_computation.1_lowered:
.L_overlay_start_0:
0x88: {  	s2 =	sld [smem:$0x3FD9]  }
0x89: {  	s3 =	sld [smem:$0x3FFE];
	_ =	sdelay $0x1  }
0x8a: {  	s1 =	srdreg.scid  }
0x8b: {  	s0 =	sand.u32 $0x1, s1  }
0x8c: {  	s14 =	sshll.u32 s0, $0xA;
	s2 =	sadd.s32 s3, s2  }
0x8d: {  	s2 =	sadd.s32 s2, s14  }
0x8e: {  	[smem:$0x3FBC] =	sst s2  }
0x8f: {  	_ = 	snop  }
0x90: {  	s2 =	sld [smem:$0x3FD0];
	_ =	sdelay $0x2  }
0x91: {  	s15 =	simm.s32 $0xA;
	s4 =	simm.s32 $0x10  }
0x92: {  	[smem:s4], [sflag:s15] =	dma.local [hbm:s2], $0x1  }
0x93: {  	_ =	swait.eq [sflag:s15], $0x1  }
0x94: {  	[sflag:s15] =	ssyncset.done $0x0  }
0x95: {  	s16 =	sld [smem:$0x10];
	[sflag:s15] =	ssyncadd.s32 $0xFFFFFFFF  }
0x96: {  	s17 =	sld [smem:$0x11];
	(tm) =	ssettm $0x1  }
0x97: {  	s18 =	sld [smem:$0x3FFB];
	_ =	sdelay $0x3  }
0x98: {  	_ =	strace s18  }
0x99: {  	s4 =	sld [smem:$0x3FFC];
	_ =	sdelay $0x3  }
0x9a: {  	_ =	strace s4  }
0x9b: {  	s4 =	sld [smem:$0x3FFD];
	_ =	sdelay $0x3  }
0x9c: {  	_ =	strace s4  }
0x9d: {  	_ =	strace $0x8FFFFFFF  }
0x9e: {  	s19 =	sld [smem:$0x3FDB];
	_ =	sdelay $0x1  }
0x9f: {  	s5 =	simm.s32 $_scs_section_size  }
0xa0: {  	s6 =	simm.s32 $_size__tile_overlayer_lowered;
	s7 =	simm.s32 $_tile_overlayer_lowered  }
0xa1: {  	s22 =	simm.s32 $0x1BFF;
	s21 =	sshll.u32 s7, $0x1;
	s4 =	sadd.s32 s5, s19  }
0xa2: {  	s8 =	simm.s32 $0x0;
	s20 =	sshll.u32 s6, $0x1;
	s6 =	sadd.s32 s21, s4  }
0xa3: {  	[timem:s8], [sflag:s22] =	dma.local [hbm:s6], s20  }
0xa4: {  	_ =	swait.ge [sflag:s22], s20  }
0xa5: {  	s5 =	ssub.s32 $0x0, s20;
	[sflag:s22] =	ssyncset.done $0x0  }
0xa6: {  	[sflag:s22] =	ssyncadd.s32 s5;
	_ =	sdelay $0x1  }
0xa7: {  	s23 =	simm.s32 $0x1B8B  }
0xa8: {  	_ =	swait.ge [sflag:s23], $0x1  }
0xa9: {  	[sflag:s23] =	ssyncset.done $0x0  }
0xaa: {  	s25 =	simm.s32 $0x1B8E;
	s24 =	sld [smem:$0x3FFE];
	[sflag:s23] =	ssyncadd.s32 $0xFFFFFFFF  }
0xab: {  	s26 =	simm.s32 $execute0_lowered;
	[smem:$0x3FD2] =	sst s25  }
0xac: {  	s6 =	sshll.u32 s26, $0x1;
	_ =	strace $0x80000049;
	[dreg:$0x1] =	wrdreg $0xFFFFFFFF  }
0xad: {  	s28 =	simm.s32 $_size_execute0_lowered;
	s4 =	sadd.s32 s4, s6;
	[dreg:$0x0] =	wrdreg $0x0  }
0xae: {  	s6 =	sshll.u32 s28, $0x1;
	[dreg:$0x2] =	wrdreg s4  }
0xaf: {  	[dreg:$0x3] =	wrdreg s6  }
0xb0: {  	[dreg:$0x4] =	wrdreg $0xC0  }
0xb1: {  	_ =	task [dreg:s8], $0x5FFFF  }
0xb2: {  	[dreg:$0x1] =	wrdreg $0xFFFFFFFF  }
0xb3: {  	[dreg:$0x0] =	wrdreg $0x60  }
0xb4: {  	[dreg:$0x2] =	wrdreg s17  }
0xb5: {  	[dreg:$0x3] =	wrdreg s16  }
0xb6: {  	[dreg:$0x4] =	wrdreg s24  }
0xb7: {  	[dreg:$0x5] =	wrdreg $0xA5000  }
0xb8: {  	[dreg:$0x6] =	wrdreg $0x145000  }
0xb9: {  	[dreg:$0x7] =	wrdreg $0x9  }
0xba: {  	_ =	task.clear_ibuf [dreg:s8], $0x8FFFF;
	_ =	strace $0x90000049  }
0xbb: {  	s29 =	simm.s32 $0x9;
	_ =	strace $0x8000004B  }
0xbc: {  	_ =	swait.ge [sflag:s29], $0x1  }
0xbd: {  	[sflag:s29] =	ssyncadd.s32 $0xFFFFFFFF  }
0xbe: {  	_ =	strace $0x9000004B  }
0xbf: {  	_ =	sfence  }
0xc0: {  	s30 =	sld [smem:$0x0];
	_ =	sdelay $0x2  }
0xc1: {  	s31 =	sshll.u32 s1, $0xD;
	s1 =	sshrl.u32 s1, $0x2  }
0xc2: {  	s3 =	sand.u32 $0x4000, s31;
	s1 =	sadd.s32 s1, s30  }
0xc3: {  	s0 =	sor.u32 s3, s0;
	s1 =	sshll.u32 s1, $0x11  }
0xc4: {  	s0 =	sor.u32 s1, s0  }
0xc5: {  	s0 =	sadd.s32 $0x8F2B, s0  }
0xc6: {  	[sflag:s0] =	ssyncadd.remote.s32 $0x1  }
0xc7: {  	_ =	sfence.sel $0xFFFF  }
0xc8: {  	[dreg:$0x0] =	wrdreg $0xFFFFFFFF;
	(pc) =	sbr.abs _section_cstart, $3  }
0xc9: {  	[dreg:$0x1] =	wrdreg $0xFFFFFFFF  }
0xca: {  	_ =	task.clear_ibuf [dreg:s8], $0x2FFFF;
	_ =	strace $0x9FFFFFFF  }
0xcb: {  	(tm) =	ssettm $0x7FFFFFFF  }
tec
execute0_lowered:
.L_overlay_start_1:
0x0: {  	(tag) =	ssettag $0x1  }
0x1: {  	s5 =	rddreg [dreg:$0x0]  }
0x2: {  	s8 =	rddreg [dreg:$0x1]  }
0x3: {  	s6 =	rddreg [dreg:$0x2];
	s1 =	srdreg.scid  }
0x4: {  	s0 =	stileid.u32;
	s2 =	rddreg [dreg:$0x3]  }
0x5: {  	s3 =	rddreg [dreg:$0x4];
	s4 =	simm.s32 $0x0;
	s9 =	smul.u32 $0x5000, s0  }
0x6: {  	s7 =	sand.u32 $0x1, s1;
	s11 =	smul.u32 $0xA000, s0;
	[smem:$0x7FF] =	sst s4  }
0x7: {  	s1 =	rddreg [dreg:$0x5];
	s14 =	sadd.s32 $0x15A400, s6;
	s15 =	sadd.s32 $0x146400, s6  }
0x8: {  	s17 =	sadd.s32 $0x16E400, s6;
	s18 =	sadd.s32 $0x182400, s6;
	s31 =	sshll.u32 s0, $0x6  }
0x9: {  	s10 =	smul.u32 $0x2800, s7;
	_ =	strace $0x8000004A;
	s29 =	ssub.s32 $0x2, s7  }
0xa: {  	p0 =	seq.s32 s7, $0x0;
	s12 =	sshrl.u32 s11, $0x3;
	s16 =	sshrl.u32 s29, $0x1  }
0xb: {  	s30 =	sadd.s32 s11, s2;
	s19 =	sadd.s32 s11, s3;
	s15 =	smov.u32 @p0 s14  }
0xc: {  	s18 =	smov.u32 @p0 s17;
	s17 =	simm.s32 $0x280;
	s9 =	sadd.s32 s10, s9  }
0xd: {  	s28 =	sadd.s32 s12, s6;
	s10 =	ssub.s32 s29, s16;
	s5 =	sadd.s32 s5, s12  }
0xe: {  	s8 =	sadd.s32 s8, s12;
	s11 =	sadd.s32 s18, s12;
	s14 =	sshrl.u32 s30, $0x3  }
0xf: {  	s16 =	sshrl.u32 s19, $0x3;
	s18 =	simm.s32 $0x500;
	s9 =	sshrl.u32 s9, $0x3  }
0x10: {  	s19 =	simm.s32 $0x0;
	s7 =	sadd.s32 $0x132400, s28;
	s13 =	sadd.s32 s9, s6  }
0x11: {  	s6 =	sor.u32 $0x1C01, s31;
	s9 =	smax.u32 s10, $0x1;
	s10 =	sadd.s32 s15, s12  }
0x12: {  	s15 =	simm.s32 $0x1;
	s12 =	sadd.s32 $0x6400, s13;
	s13 =	sadd.s32 $0x10400, s13  }
.LBB2_1:
0x13: {  	[spmem:s14], [sflag:s6] =	dma.local [hbm:s5], $0x1400  }
0x14: {  	_ =	swait.ge [sflag:s15], $0x1400  }
0x15: {  	[sflag:s15] =	ssyncset.done $0x0  }
0x16: {  	[sflag:s15] =	ssyncadd.s32 $0xFFFFEC00  }
0x17: {  	[spmem:s16], [sflag:s6] =	dma.local [hbm:s7], $0x1400  }
0x18: {  	_ =	swait.ge [sflag:s15], $0x1400  }
0x19: {  	[sflag:s15] =	ssyncset.done $0x0  }
0x1a: {  	[sflag:s15] =	ssyncadd.s32 $0xFFFFEC00  }
0x1b: {  	s20 =	sadd.s32 $0x0, s13;
	[bflag:$0x0] =	sbarrier.arrive $0xFFFF  }
0x1c: {  	[tilespmem:s4], [sflag:$0x1] =	stream.linear.gather [hbm4b:s20+s4], $0x280, $0x38;
	[tilespmem:$0x1E500] =	vst v63  }
0x1d: {  	_ =	swait.ge [sflag:s15], $0x280  }
0x1e: {  	[sflag:s15] =	ssyncset.done $0x0  }
0x1f: {  	s31 =	sadd.s32 $0x0, s12;
	[sflag:s15] =	ssyncadd.s32 $0xFFFFFD80  }
0x20: {  	[tilespmem:s17], [sflag:$0x1] =	stream.linear.gather [hbm4b:s31+s4], $0x280, $0x38;
	[tilespmem:$0x1E500] =	vst v63  }
0x21: {  	_ =	swait.ge [sflag:s15], $0x280  }
0x22: {  	[sflag:s15] =	ssyncset.done $0x0  }
0x23: {  	[sflag:s15] =	ssyncadd.s32 $0xFFFFFD80  }
0x24: {  	[tilespmem:s18], [sflag:$0x1] =	stream.indirect.gather [spmem:s2], $0x40, s4, s17, $0xb8;
	[tilespmem:$0x1E500] =	vst v63  }
0x25: {  	_ =	swait.ge [sflag:s15], $0xA000  }
0x26: {  	[sflag:s15] =	ssyncset.done $0x0  }
0x27: {  	[sflag:s15] =	ssyncadd.s32 $0xFFFF6000  }
0x28: {  	[spmem:s3] =	stream.indirect.scatter.add.f32 [tilespmem:s18], [sflag:$0x1], $0x40, s17, s17, $0xb8;
	[tilespmem:$0x1E500] =	vst v63  }
0x29: {  	_ =	swait.ge [sflag:s15], $0xA000  }
0x2a: {  	s21 =	simm.s32 $0xA0;
	s20 =	simm.s32 $0x50;
	[sflag:s15] =	ssyncset.done $0x0  }
.LBB2_2:
0x2b: {  	s22 =	sadd.s32 s20, s13  }
0x2c: {  	[sflag:s15] =	ssyncadd.s32 $0xFFFF6000;
	s23 =	smov.u32 s21;
	s24 =	sadd.s32 $0x50, s21  }
0x2d: {  	[tilespmem:s4], [sflag:$0x1] =	stream.linear.gather [hbm4b:s22+s4], $0x280, $0x38;
	[tilespmem:$0x1E500] =	vst v63  }
0x2e: {  	p0 =	sne.s32 s21, $0x4B0;
	_ =	swait.ge [sflag:s15], $0x280  }
0x2f: {  	[sflag:s15] =	ssyncset.done $0x0  }
0x30: {  	s21 =	sadd.s32 s20, s12;
	s20 =	smov.u32 s23;
	[sflag:s15] =	ssyncadd.s32 $0xFFFFFD80  }
0x31: {  	[tilespmem:s17], [sflag:$0x1] =	stream.linear.gather [hbm4b:s21+s4], $0x280, $0x38;
	[tilespmem:$0x1E500] =	vst v63  }
0x32: {  	_ =	swait.ge [sflag:s15], $0x280  }
0x33: {  	[sflag:s15] =	ssyncset.done $0x0  }
0x34: {  	[sflag:s15] =	ssyncadd.s32 $0xFFFFFD80  }
0x35: {  	[tilespmem:s18], [sflag:$0x1] =	stream.indirect.gather [spmem:s2], $0x40, s4, s17, $0xb8;
	[tilespmem:$0x1E500] =	vst v63  }
0x36: {  	_ =	swait.ge [sflag:s15], $0xA000  }
.Ltmp0:
0x37: {  	[sflag:s15] =	ssyncset.done $0x0;
	(pc) =	sbr.rel @p0 .LBB2_2-.Ltmp0, $4  }
0x38: {  	[sflag:s15] =	ssyncadd.s32 $0xFFFF6000  }
0x39: {  	[spmem:s3] =	stream.indirect.scatter.add.f32 [tilespmem:s18], [sflag:$0x1], $0x40, s17, s17, $0xb8;
	[tilespmem:$0x1E500] =	vst v63  }
0x3a: {  	_ =	swait.ge [sflag:s15], $0xA000  }
0x3b: {  	s21 =	smov.u32 s24;
	[sflag:s15] =	ssyncset.done $0x0  }
0x3c: {  	s21 =	sadd.s32 s20, s13;
	[sflag:s15] =	ssyncadd.s32 $0xFFFF6000  }
0x3d: {  	[tilespmem:s4], [sflag:$0x1] =	stream.linear.gather [hbm4b:s21+s4], $0x280, $0x38;
	[tilespmem:$0x1E500] =	vst v63  }
0x3e: {  	_ =	swait.ge [sflag:s15], $0x280  }
0x3f: {  	[sflag:s15] =	ssyncset.done $0x0  }
0x40: {  	s29 =	sadd.s32 s20, s12;
	[sflag:s15] =	ssyncadd.s32 $0xFFFFFD80  }
0x41: {  	[tilespmem:s17], [sflag:$0x1] =	stream.linear.gather [hbm4b:s29+s4], $0x280, $0x38;
	[tilespmem:$0x1E500] =	vst v63  }
0x42: {  	_ =	swait.ge [sflag:s15], $0x280  }
0x43: {  	[sflag:s15] =	ssyncset.done $0x0  }
0x44: {  	[sflag:s15] =	ssyncadd.s32 $0xFFFFFD80  }
0x45: {  	[tilespmem:s18], [sflag:$0x1] =	stream.indirect.gather [spmem:s2], $0x40, s4, s17, $0xb8;
	[tilespmem:$0x1E500] =	vst v63  }
0x46: {  	_ =	swait.ge [sflag:s15], $0xA000  }
0x47: {  	[sflag:s15] =	ssyncset.done $0x0  }
0x48: {  	[sflag:s15] =	ssyncadd.s32 $0xFFFF6000  }
0x49: {  	[spmem:s3] =	stream.indirect.scatter.add.f32 [tilespmem:s18], [sflag:$0x1], $0x40, s17, s17, $0xb8;
	[tilespmem:$0x1E500] =	vst v63  }
0x4a: {  	_ =	swait.ge [sflag:s15], $0xA000  }
0x4b: {  	[sflag:s15] =	ssyncset.done $0x0  }
0x4c: {  	[sflag:s15] =	ssyncadd.s32 $0xFFFF6000  }
0x4d: {  	[bflag:$0x0] =	sbarrier.arrive $0xFFFF  }
0x4e: {  	[hbm:s10], [sflag:s6] =	dma.local [spmem:s16], $0x1400  }
0x4f: {  	_ =	swait.ge [sflag:s15], $0x1400  }
0x50: {  	[sflag:s15] =	ssyncset.done $0x0  }
0x51: {  	[sflag:s15] =	ssyncadd.s32 $0xFFFFEC00  }
0x52: {  	[bflag:$0x0] =	sbarrier.arrive $0xFFFF  }
0x53: {  	[spmem:s14], [sflag:s6] =	dma.local [hbm:s8], $0x1400  }
0x54: {  	_ =	swait.ge [sflag:s15], $0x1400  }
0x55: {  	[sflag:s15] =	ssyncset.done $0x0  }
0x56: {  	[sflag:s15] =	ssyncadd.s32 $0xFFFFEC00  }
0x57: {  	[spmem:s16], [sflag:s6] =	dma.local [hbm:s7], $0x1400  }
0x58: {  	_ =	swait.ge [sflag:s15], $0x1400  }
0x59: {  	[sflag:s15] =	ssyncset.done $0x0  }
0x5a: {  	[sflag:s15] =	ssyncadd.s32 $0xFFFFEC00  }
0x5b: {  	s30 =	sadd.s32 $0x0, s13;
	[bflag:$0x0] =	sbarrier.arrive $0xFFFF  }
0x5c: {  	[tilespmem:s4], [sflag:$0x1] =	stream.linear.gather [hbm4b:s30+s4], $0x280, $0x38;
	[tilespmem:$0x1E500] =	vst v63  }
0x5d: {  	_ =	swait.ge [sflag:s15], $0x280  }
0x5e: {  	[sflag:s15] =	ssyncset.done $0x0  }
0x5f: {  	s31 =	sadd.s32 $0x0, s12;
	[sflag:s15] =	ssyncadd.s32 $0xFFFFFD80  }
0x60: {  	[tilespmem:s17], [sflag:$0x1] =	stream.linear.gather [hbm4b:s31+s4], $0x280, $0x38;
	[tilespmem:$0x1E500] =	vst v63  }
0x61: {  	_ =	swait.ge [sflag:s15], $0x280  }
0x62: {  	[sflag:s15] =	ssyncset.done $0x0  }
0x63: {  	[sflag:s15] =	ssyncadd.s32 $0xFFFFFD80  }
0x64: {  	[tilespmem:s18], [sflag:$0x1] =	stream.indirect.gather [spmem:s2], $0x40, s4, s17, $0xb8;
	[tilespmem:$0x1E500] =	vst v63  }
0x65: {  	_ =	swait.ge [sflag:s15], $0xA000  }
0x66: {  	[sflag:s15] =	ssyncset.done $0x0  }
0x67: {  	[sflag:s15] =	ssyncadd.s32 $0xFFFF6000  }
0x68: {  	[spmem:s3] =	stream.indirect.scatter.add.f32 [tilespmem:s18], [sflag:$0x1], $0x40, s17, s17, $0xb8;
	[tilespmem:$0x1E500] =	vst v63  }
0x69: {  	_ =	swait.ge [sflag:s15], $0xA000  }
0x6a: {  	s20 =	simm.s32 $0x50;
	s21 =	simm.s32 $0xA0;
	[sflag:s15] =	ssyncset.done $0x0  }
.LBB2_4:
0x6b: {  	s22 =	sadd.s32 s20, s13  }
0x6c: {  	[sflag:s15] =	ssyncadd.s32 $0xFFFF6000;
	s23 =	smov.u32 s21;
	s24 =	sadd.s32 $0x50, s21  }
0x6d: {  	[tilespmem:s4], [sflag:$0x1] =	stream.linear.gather [hbm4b:s22+s4], $0x280, $0x38;
	[tilespmem:$0x1E500] =	vst v63  }
0x6e: {  	p0 =	sne.s32 s21, $0x4B0;
	_ =	swait.ge [sflag:s15], $0x280  }
0x6f: {  	[sflag:s15] =	ssyncset.done $0x0  }
0x70: {  	s21 =	sadd.s32 s20, s12;
	s20 =	smov.u32 s23;
	[sflag:s15] =	ssyncadd.s32 $0xFFFFFD80  }
0x71: {  	[tilespmem:s17], [sflag:$0x1] =	stream.linear.gather [hbm4b:s21+s4], $0x280, $0x38;
	[tilespmem:$0x1E500] =	vst v63  }
0x72: {  	_ =	swait.ge [sflag:s15], $0x280  }
0x73: {  	[sflag:s15] =	ssyncset.done $0x0  }
0x74: {  	[sflag:s15] =	ssyncadd.s32 $0xFFFFFD80  }
0x75: {  	[tilespmem:s18], [sflag:$0x1] =	stream.indirect.gather [spmem:s2], $0x40, s4, s17, $0xb8;
	[tilespmem:$0x1E500] =	vst v63  }
0x76: {  	_ =	swait.ge [sflag:s15], $0xA000  }
.Ltmp1:
0x77: {  	[sflag:s15] =	ssyncset.done $0x0;
	(pc) =	sbr.rel @p0 .LBB2_4-.Ltmp1, $4  }
0x78: {  	[sflag:s15] =	ssyncadd.s32 $0xFFFF6000  }
0x79: {  	[spmem:s3] =	stream.indirect.scatter.add.f32 [tilespmem:s18], [sflag:$0x1], $0x40, s17, s17, $0xb8;
	[tilespmem:$0x1E500] =	vst v63  }
0x7a: {  	_ =	swait.ge [sflag:s15], $0xA000  }
0x7b: {  	s21 =	smov.u32 s24;
	[sflag:s15] =	ssyncset.done $0x0  }
0x7c: {  	s21 =	sadd.s32 s20, s13;
	[sflag:s15] =	ssyncadd.s32 $0xFFFF6000  }
0x7d: {  	[tilespmem:s4], [sflag:$0x1] =	stream.linear.gather [hbm4b:s21+s4], $0x280, $0x38;
	[tilespmem:$0x1E500] =	vst v63  }
0x7e: {  	_ =	swait.ge [sflag:s15], $0x280  }
0x7f: {  	[sflag:s15] =	ssyncset.done $0x0  }
0x80: {  	s31 =	sadd.s32 s20, s12;
	[sflag:s15] =	ssyncadd.s32 $0xFFFFFD80  }
0x81: {  	[tilespmem:s17], [sflag:$0x1] =	stream.linear.gather [hbm4b:s31+s4], $0x280, $0x38;
	[tilespmem:$0x1E500] =	vst v63  }
0x82: {  	_ =	swait.ge [sflag:s15], $0x280  }
0x83: {  	[sflag:s15] =	ssyncset.done $0x0  }
0x84: {  	[sflag:s15] =	ssyncadd.s32 $0xFFFFFD80  }
0x85: {  	[tilespmem:s18], [sflag:$0x1] =	stream.indirect.gather [spmem:s2], $0x40, s4, s17, $0xb8;
	[tilespmem:$0x1E500] =	vst v63  }
0x86: {  	_ =	swait.ge [sflag:s15], $0xA000  }
0x87: {  	[sflag:s15] =	ssyncset.done $0x0  }
0x88: {  	[sflag:s15] =	ssyncadd.s32 $0xFFFF6000  }
0x89: {  	[spmem:s3] =	stream.indirect.scatter.add.f32 [tilespmem:s18], [sflag:$0x1], $0x40, s17, s17, $0xb8;
	[tilespmem:$0x1E500] =	vst v63  }
0x8a: {  	_ =	swait.ge [sflag:s15], $0xA000  }
0x8b: {  	[sflag:s15] =	ssyncset.done $0x0  }
0x8c: {  	s19 =	sadd.s32 $0x1, s19;
	[sflag:s15] =	ssyncadd.s32 $0xFFFF6000  }
0x8d: {  	p0 =	sne.s32 s19, s9;
	[bflag:$0x0] =	sbarrier.arrive $0xFFFF  }
0x8e: {  	[hbm:s11], [sflag:s6] =	dma.local [spmem:s16], $0x1400  }
.Ltmp2:
0x8f: {  	_ =	swait.ge [sflag:s15], $0x1400;
	(pc) =	sbr.rel @p0 .LBB2_1-.Ltmp2, $3  }
0x90: {  	[sflag:s15] =	ssyncset.done $0x0  }
0x91: {  	[sflag:s15] =	ssyncadd.s32 $0xFFFFEC00  }
0x92: {  	[bflag:$0x0] =	sbarrier.arrive $0xFFFF;
	_ =	sdelay $0x1  }
0x93: {  	_ =	sfence.sel $0x180000  }
0x94: {  	[bflag:$0x0] =	sbarrier.arrive $0xFFFF  }
0x95: {  	p0 =	sne.s32 s0, $0x0;
	_ =	strace $0x9000004A  }
0x96: {  	s0 =	sadd.s32 @!p0 $0x100000, s1;
	[bflag:$0x2] =	sbarrier.arrive $0xFFFF  }
0x97: {  	[sflag:s0] =	ssyncadd.tile.s32 @!p0 $0x1;
	_ =	shalt  }
.Lfunc_end2:
_tile_overlayer_lowered:
.L_overlay_start_2:
0x98: {  	(tag) =	ssettag $0x2  }
0x99: {  	s0 =	rddreg [dreg:$0x0];
	s2 =	stileid.u32  }
0x9a: {  	s1 =	rddreg [dreg:$0x1];
	p0 =	sne.s32 s2, $0x0  }
0x9b: {  	s3 =	rddreg [dreg:$0x2];
	[bflag:$0x3] =	sbarrier.arrive $0xFFFF;
	s2 =	simm.s32 @!p0 $0x1C01  }
0x9c: {  	[timem:s3], [sflag:s2] =	dma.local @!p0 [hbm:s0], s1  }
0x9d: {  	s0 =	simm.s32 @!p0 $0x1  }
0x9e: {  	_ =	swait.ge @!p0 [sflag:s0], s1  }
0x9f: {  	s1 =	ssub.s32 @!p0 $0x0, s1;
	[sflag:s0] =	ssyncset.done @!p0 $0x0  }
0xa0: {  	[sflag:s0] =	ssyncadd.s32 @!p0 s1  }
0xa1: {  	[bflag:$0x3] =	sbarrier.arrive $0xFFFF  }
0xa2: {  	_ =	shalt  }

// kernel: kernel.14.cloned.1.call-start
scs
__scs_entry_jumppad:
0x0: {  	(pc) =	sbr.rel $0x88, $3  }
0x1: {  	(tag) =	ssettag $0x0;
	lr =	simm.s32 $0x1  }
0x2: {  	[smem:$0x3F95] =	sst lr;
	_ =	strace $0xD0000000  }
0x3: {  	_ = 	snop  }
0x4: {  	_ = 	snop  }
0x5: {  	_ = 	snop  }
0x6: {  	_ = 	snop  }
0x7: {  	_ = 	snop  }
__scs_overlays_trampoline_lowered:
0x8: {  	[smem:$0x3FA4] =	sst s0  }
0x9: {  	[smem:$0x3FA5] =	sst s1  }
0xa: {  	[smem:$0x3FA6] =	sst s2  }
0xb: {  	[smem:$0x3FA7] =	sst s3  }
0xc: {  	[smem:$0x3FA8] =	sst s4  }
0xd: {  	[smem:$0x3FA9] =	sst s5  }
0xe: {  	[smem:$0x3FAA] =	sst s6  }
0xf: {  	[smem:$0x3FAB] =	sst s7  }
0x10: {  	[smem:$0x3FAC] =	sst s8  }
0x11: {  	[smem:$0x3FAD] =	sst s9;
	s0 =	simm.s32 @!p0 $0x0  }
0x12: {  	s1 =	sld [smem:$0x3F93];
	s0 =	simm.s32 @p0 $0x1  }
0x13: {  	[smem:$0x3FAE] =	sst s0;
	s0 =	simm.s32 @!p1 $0x0  }
0x14: {  	s2 =	sld [smem:$0x3F92];
	s0 =	simm.s32 @p1 $0x1  }
0x15: {  	[smem:$0x3FAF] =	sst s0;
	s0 =	simm.s32 @!p2 $0x0  }
0x16: {  	s3 =	sld [smem:$0x3FDB];
	s0 =	simm.s32 @p2 $0x1  }
0x17: {  	s4 =	simm.s32 $0x1BF5;
	[smem:$0x3FB1] =	sst s0  }
0x18: {  	s0 =	sld [smem:$0x3F94];
	_ =	swait.ge [sflag:s4], $0x0  }
0x19: {  	s7 =	sld [smem:$0x3F95]  }
0x1a: {  	s8 =	sadd.s32 $0xFFFFE003, lr  }
0x1b: {  	s9 =	sadd.s32 $0xFFFFFEF7, lr;
	s5 =	simm.s32 $0xFFFFFFFF;
	p2 =	slt.u32 s8, $0xFFFFF086  }
0x1c: {  	p1 =	slt.u32 s9, $0xF7A;
	s5 =	simm.s32 @!p2 $0x0  }
0x1d: {  	s5 =	simm.s32 @p1 $0x1;
	p0 =	seq.s32 s7, s2  }
0x1e: {  	s7 =	smul.u32 @!p0 $0xF7A, s2;
	p2 =	seq.s32 @!p0 s5, $0x0  }
0x1f: {  	s9 =	smul.u32 $0xF7A, s1;
	s8 =	simm.s32 @!p0 $0x1BF5;
	p2 =	por !p2, p0  }
0x20: {  	[sflag:s8] =	ssyncset.s32 @!p0 $0xFFFFF086;
	s6 =	sadd.s32 @!p0 s3, s7;
	s7 =	simm.s32 @!p0 $0x108  }
0x21: {  	s3 =	sadd.s32 s3, s9;
	s6 =	sadd.s32 @!p0 $0x88, s6;
	s7 =	simm.s32 @p2 $0x1082  }
0x22: {  	[simem:s7], [sflag:s8] =	dma.local @!p0 [hbm:s6], $0xF7A  }
0x23: {  	s9 =	sor.u32 $0xD0000000, s2;
	s6 =	simm.s32 $0x108;
	_ =	swait.ge @!p0 [sflag:s8], $0x0  }
0x24: {  	s3 =	sadd.s32 $0x88, s3;
	s6 =	simm.s32 @!p1 $0x1082;
	[sflag:s4] =	ssyncset.s32 $0xFFFFF086  }
0x25: {  	[simem:s6], [sflag:s4] =	dma.local [hbm:s3], $0xF7A  }
0x26: {  	[smem:$0x3F95] =	sst s1;
	(tag) =	ssettag s2;
	_ =	strace s9  }
0x27: {  	s1 =	sld [smem:$0x3FA5]  }
0x28: {  	s2 =	sld [smem:$0x3FA6]  }
0x29: {  	s4 =	sld [smem:$0x3FA8]  }
0x2a: {  	p0 =	seq.s32 s5, $0x0;
	s5 =	sld [smem:$0x3FA9]  }
0x2b: {  	s6 =	sld [smem:$0x3FAA]  }
0x2c: {  	s7 =	sld [smem:$0x3FAB]  }
0x2d: {  	s3 =	simm.s32 $0x108;
	s8 =	sld [smem:$0x3FAC]  }
0x2e: {  	s3 =	simm.s32 @!p0 $0x1082;
	s9 =	sld [smem:$0x3FAD]  }
0x2f: {  	lr =	sadd.s32 s0, s3;
	s0 =	sld [smem:$0x3FA4]  }
0x30: {  	s3 =	sld [smem:$0x3FA7]  }
0x31: {  	[smem:$0x3FB0] =	sst s10  }
0x32: {  	s10 =	sld [smem:$0x3FAE];
	_ =	sdelay $0x3  }
0x33: {  	p0 =	seq.s32 s10, $0x1;
	s10 =	sld [smem:$0x3FB0];
	_ =	sdelay $0x3  }
0x34: {  	[smem:$0x3FB0] =	sst s10  }
0x35: {  	s10 =	sld [smem:$0x3FAF];
	_ =	sdelay $0x3  }
0x36: {  	p1 =	seq.s32 s10, $0x1;
	s10 =	sld [smem:$0x3FB0];
	_ =	sdelay $0x3  }
0x37: {  	[smem:$0x3FB0] =	sst s10  }
0x38: {  	s10 =	sld [smem:$0x3FB1]  }
0x39: {  	_ = 	snop;
	(pc) =	sbr.ind lr, $3  }
0x3a: {  	_ = 	snop  }
0x3b: {  	_ = 	snop  }
0x3c: {  	p2 =	seq.s32 s10, $0x1;
	s10 =	sld [smem:$0x3FB0]  }
0x3d: {  	_ =	shalt  }
0x3e: {  	_ =	shalt  }
0x3f: {  	_ =	shalt  }
0x40: {  	_ =	shalt  }
0x41: {  	_ =	shalt  }
0x42: {  	_ =	shalt  }
0x43: {  	_ =	shalt  }
0x44: {  	_ =	shalt  }
0x45: {  	_ =	shalt  }
0x46: {  	_ =	shalt  }
0x47: {  	_ =	shalt  }
0x48: {  	_ =	shalt  }
0x49: {  	_ =	shalt  }
0x4a: {  	_ =	shalt  }
0x4b: {  	_ =	shalt  }
0x4c: {  	_ =	shalt  }
0x4d: {  	_ =	shalt  }
0x4e: {  	_ =	shalt  }
0x4f: {  	_ =	shalt  }
0x50: {  	_ =	shalt  }
0x51: {  	_ =	shalt  }
0x52: {  	_ =	shalt  }
0x53: {  	_ =	shalt  }
0x54: {  	_ =	shalt  }
0x55: {  	_ =	shalt  }
0x56: {  	_ =	shalt  }
0x57: {  	_ =	shalt  }
0x58: {  	_ =	shalt  }
0x59: {  	_ =	shalt  }
0x5a: {  	_ =	shalt  }
0x5b: {  	_ =	shalt  }
0x5c: {  	_ =	shalt  }
0x5d: {  	_ =	shalt  }
0x5e: {  	_ =	shalt  }
0x5f: {  	_ =	shalt  }
0x60: {  	_ =	shalt  }
0x61: {  	_ =	shalt  }
0x62: {  	_ =	shalt  }
0x63: {  	_ =	shalt  }
0x64: {  	_ =	shalt  }
0x65: {  	_ =	shalt  }
0x66: {  	_ =	shalt  }
0x67: {  	_ =	shalt  }
0x68: {  	_ =	shalt  }
0x69: {  	_ =	shalt  }
0x6a: {  	_ =	shalt  }
0x6b: {  	_ =	shalt  }
0x6c: {  	_ =	shalt  }
0x6d: {  	_ =	shalt  }
0x6e: {  	_ =	shalt  }
0x6f: {  	_ =	shalt  }
0x70: {  	_ =	shalt  }
0x71: {  	_ =	shalt  }
0x72: {  	_ =	shalt  }
0x73: {  	_ =	shalt  }
0x74: {  	_ =	shalt  }
0x75: {  	_ =	shalt  }
0x76: {  	_ =	shalt  }
0x77: {  	_ =	shalt  }
0x78: {  	_ =	shalt  }
0x79: {  	_ =	shalt  }
0x7a: {  	_ =	shalt  }
0x7b: {  	_ =	shalt  }
0x7c: {  	_ =	shalt  }
0x7d: {  	_ =	shalt  }
0x7e: {  	_ =	shalt  }
0x7f: {  	_ =	shalt  }
0x80: {  	_ =	shalt  }
0x81: {  	_ =	shalt  }
0x82: {  	_ =	shalt  }
0x83: {  	_ =	shalt  }
0x84: {  	_ =	shalt  }
0x85: {  	_ =	shalt  }
0x86: {  	_ =	shalt  }
0x87: {  	_ =	shalt  }
.Lfunc_end0:
.L_simem_size_0:
called_computation.2_lowered:
.L_overlay_start_0:
0x88: {  	s2 =	sld [smem:$0x3FD9]  }
0x89: {  	s3 =	sld [smem:$0x3FFE];
	_ =	sdelay $0x1  }
0x8a: {  	s1 =	srdreg.scid  }
0x8b: {  	s0 =	sand.u32 $0x1, s1  }
0x8c: {  	s14 =	sshll.u32 s0, $0xA;
	s2 =	sadd.s32 s3, s2  }
0x8d: {  	s2 =	sadd.s32 s2, s14  }
0x8e: {  	[smem:$0x3FBC] =	sst s2  }
0x8f: {  	_ = 	snop  }
0x90: {  	s2 =	sld [smem:$0x3FD0];
	_ =	sdelay $0x2  }
0x91: {  	s15 =	simm.s32 $0xA;
	s4 =	simm.s32 $0x10  }
0x92: {  	[smem:s4], [sflag:s15] =	dma.local [hbm:s2], $0x1  }
0x93: {  	_ =	swait.eq [sflag:s15], $0x1  }
0x94: {  	[sflag:s15] =	ssyncset.done $0x0  }
0x95: {  	s16 =	sld [smem:$0x10];
	[sflag:s15] =	ssyncadd.s32 $0xFFFFFFFF  }
0x96: {  	s17 =	sld [smem:$0x11];
	(tm) =	ssettm $0x1  }
0x97: {  	s18 =	sld [smem:$0x3FFB];
	_ =	sdelay $0x3  }
0x98: {  	_ =	strace s18  }
0x99: {  	s4 =	sld [smem:$0x3FFC];
	_ =	sdelay $0x3  }
0x9a: {  	_ =	strace s4  }
0x9b: {  	s4 =	sld [smem:$0x3FFD];
	_ =	sdelay $0x3  }
0x9c: {  	_ =	strace s4  }
0x9d: {  	_ =	strace $0x8FFFFFFF  }
0x9e: {  	s19 =	sld [smem:$0x3FDB];
	_ =	sdelay $0x1  }
0x9f: {  	s5 =	simm.s32 $_scs_section_size  }
0xa0: {  	s6 =	simm.s32 $_size__tile_overlayer_lowered;
	s7 =	simm.s32 $_tile_overlayer_lowered  }
0xa1: {  	s22 =	simm.s32 $0x1BFF;
	s21 =	sshll.u32 s7, $0x1;
	s4 =	sadd.s32 s5, s19  }
0xa2: {  	s8 =	simm.s32 $0x0;
	s20 =	sshll.u32 s6, $0x1;
	s6 =	sadd.s32 s21, s4  }
0xa3: {  	[timem:s8], [sflag:s22] =	dma.local [hbm:s6], s20  }
0xa4: {  	_ =	swait.ge [sflag:s22], s20  }
0xa5: {  	s5 =	ssub.s32 $0x0, s20;
	[sflag:s22] =	ssyncset.done $0x0  }
0xa6: {  	[sflag:s22] =	ssyncadd.s32 s5;
	_ =	sdelay $0x1  }
0xa7: {  	s23 =	simm.s32 $0x1B8B  }
0xa8: {  	_ =	swait.ge [sflag:s23], $0x1  }
0xa9: {  	[sflag:s23] =	ssyncset.done $0x0  }
0xaa: {  	s25 =	simm.s32 $0x1B8E;
	s24 =	sld [smem:$0x3FFE];
	[sflag:s23] =	ssyncadd.s32 $0xFFFFFFFF  }
0xab: {  	s26 =	simm.s32 $execute0_lowered;
	[smem:$0x3FD2] =	sst s25  }
0xac: {  	s6 =	sshll.u32 s26, $0x1;
	_ =	strace $0x8000004C;
	[dreg:$0x1] =	wrdreg $0xFFFFFFFF  }
0xad: {  	s28 =	simm.s32 $_size_execute0_lowered;
	s4 =	sadd.s32 s4, s6;
	[dreg:$0x0] =	wrdreg $0x0  }
0xae: {  	s6 =	sshll.u32 s28, $0x1;
	[dreg:$0x2] =	wrdreg s4  }
0xaf: {  	[dreg:$0x3] =	wrdreg s6  }
0xb0: {  	[dreg:$0x4] =	wrdreg $0xC0  }
0xb1: {  	_ =	task [dreg:s8], $0x5FFFF  }
0xb2: {  	[dreg:$0x1] =	wrdreg $0xFFFFFFFF  }
0xb3: {  	[dreg:$0x0] =	wrdreg $0x60  }
0xb4: {  	[dreg:$0x2] =	wrdreg s17  }
0xb5: {  	[dreg:$0x3] =	wrdreg s16  }
0xb6: {  	[dreg:$0x4] =	wrdreg s24  }
0xb7: {  	[dreg:$0x5] =	wrdreg $0xA5000  }
0xb8: {  	[dreg:$0x6] =	wrdreg $0x145000  }
0xb9: {  	[dreg:$0x7] =	wrdreg $0x9  }
0xba: {  	_ =	task.clear_ibuf [dreg:s8], $0x8FFFF;
	_ =	strace $0x9000004C  }
0xbb: {  	s29 =	simm.s32 $0x9;
	_ =	strace $0x8000004E  }
0xbc: {  	_ =	swait.ge [sflag:s29], $0x1  }
0xbd: {  	[sflag:s29] =	ssyncadd.s32 $0xFFFFFFFF  }
0xbe: {  	_ =	strace $0x9000004E  }
0xbf: {  	_ =	sfence  }
0xc0: {  	s30 =	sld [smem:$0x0];
	_ =	sdelay $0x2  }
0xc1: {  	s31 =	sshll.u32 s1, $0xD;
	s1 =	sshrl.u32 s1, $0x2  }
0xc2: {  	s3 =	sand.u32 $0x4000, s31;
	s1 =	sadd.s32 s1, s30  }
0xc3: {  	s0 =	sor.u32 s3, s0;
	s1 =	sshll.u32 s1, $0x11  }
0xc4: {  	s0 =	sor.u32 s1, s0  }
0xc5: {  	s0 =	sadd.s32 $0x8F2B, s0  }
0xc6: {  	[sflag:s0] =	ssyncadd.remote.s32 $0x1  }
0xc7: {  	_ =	sfence.sel $0xFFFF  }
0xc8: {  	[dreg:$0x0] =	wrdreg $0xFFFFFFFF;
	(pc) =	sbr.abs _section_cstart, $3  }
0xc9: {  	[dreg:$0x1] =	wrdreg $0xFFFFFFFF  }
0xca: {  	_ =	task.clear_ibuf [dreg:s8], $0x2FFFF;
	_ =	strace $0x9FFFFFFF  }
0xcb: {  	(tm) =	ssettm $0x7FFFFFFF  }
tec
execute0_lowered:
.L_overlay_start_1:
0x0: {  	(tag) =	ssettag $0x1  }
0x1: {  	s5 =	rddreg [dreg:$0x0]  }
0x2: {  	s8 =	rddreg [dreg:$0x1]  }
0x3: {  	s6 =	rddreg [dreg:$0x2];
	s1 =	srdreg.scid  }
0x4: {  	s0 =	stileid.u32;
	s2 =	rddreg [dreg:$0x3]  }
0x5: {  	s3 =	rddreg [dreg:$0x4];
	s4 =	simm.s32 $0x0;
	s9 =	smul.u32 $0x5000, s0  }
0x6: {  	s7 =	sand.u32 $0x1, s1;
	s1 =	rddreg [dreg:$0x5];
	s11 =	smul.u32 $0xA000, s0  }
0x7: {  	[smem:$0x7FF] =	sst s4;
	s14 =	sadd.s32 $0xF6400, s6;
	s15 =	sadd.s32 $0xE2400, s6  }
0x8: {  	s17 =	sadd.s32 $0x10A400, s6;
	s18 =	sadd.s32 $0x11E400, s6;
	s31 =	sshll.u32 s0, $0x6  }
0x9: {  	s10 =	smul.u32 $0x2800, s7;
	_ =	strace $0x8000004D;
	s29 =	ssub.s32 $0x2, s7  }
0xa: {  	p0 =	seq.s32 s7, $0x0;
	s12 =	sshrl.u32 s11, $0x3;
	s16 =	sshrl.u32 s29, $0x1  }
0xb: {  	s30 =	sadd.s32 s11, s2;
	s19 =	sadd.s32 s11, s3;
	s15 =	smov.u32 @p0 s14  }
0xc: {  	s18 =	smov.u32 @p0 s17;
	s17 =	simm.s32 $0x280;
	s9 =	sadd.s32 s10, s9  }
0xd: {  	s28 =	sadd.s32 s12, s6;
	s10 =	ssub.s32 s29, s16;
	s5 =	sadd.s32 s5, s12  }
0xe: {  	s8 =	sadd.s32 s8, s12;
	s11 =	sadd.s32 s18, s12;
	s14 =	sshrl.u32 s30, $0x3  }
0xf: {  	s16 =	sshrl.u32 s19, $0x3;
	s18 =	simm.s32 $0x500;
	s9 =	sshrl.u32 s9, $0x3  }
0x10: {  	s19 =	simm.s32 $0x0;
	s7 =	sadd.s32 $0x132400, s28;
	s13 =	sadd.s32 s9, s6  }
0x11: {  	s6 =	sor.u32 $0x1C01, s31;
	s9 =	smax.u32 s10, $0x1;
	s10 =	sadd.s32 s15, s12  }
0x12: {  	s15 =	simm.s32 $0x1;
	s12 =	sadd.s32 $0x6400, s13;
	s13 =	sadd.s32 $0x10400, s13  }
.LBB2_1:
0x13: {  	[spmem:s14], [sflag:s6] =	dma.local [hbm:s5], $0x1400  }
0x14: {  	_ =	swait.ge [sflag:s15], $0x1400  }
0x15: {  	[sflag:s15] =	ssyncset.done $0x0  }
0x16: {  	[sflag:s15] =	ssyncadd.s32 $0xFFFFEC00  }
0x17: {  	[spmem:s16], [sflag:s6] =	dma.local [hbm:s7], $0x1400  }
0x18: {  	_ =	swait.ge [sflag:s15], $0x1400  }
0x19: {  	[sflag:s15] =	ssyncset.done $0x0  }
0x1a: {  	[sflag:s15] =	ssyncadd.s32 $0xFFFFEC00  }
0x1b: {  	s20 =	sadd.s32 $0x0, s13;
	[bflag:$0x0] =	sbarrier.arrive $0xFFFF  }
0x1c: {  	[tilespmem:s4], [sflag:$0x1] =	stream.linear.gather [hbm4b:s20+s4], $0x280, $0x38;
	[tilespmem:$0x1E500] =	vst v63  }
0x1d: {  	_ =	swait.ge [sflag:s15], $0x280  }
0x1e: {  	[sflag:s15] =	ssyncset.done $0x0  }
0x1f: {  	s31 =	sadd.s32 $0x0, s12;
	[sflag:s15] =	ssyncadd.s32 $0xFFFFFD80  }
0x20: {  	[tilespmem:s17], [sflag:$0x1] =	stream.linear.gather [hbm4b:s31+s4], $0x280, $0x38;
	[tilespmem:$0x1E500] =	vst v63  }
0x21: {  	_ =	swait.ge [sflag:s15], $0x280  }
0x22: {  	[sflag:s15] =	ssyncset.done $0x0  }
0x23: {  	[sflag:s15] =	ssyncadd.s32 $0xFFFFFD80  }
0x24: {  	[tilespmem:s18], [sflag:$0x1] =	stream.indirect.gather [spmem:s2], $0x40, s4, s17, $0xb8;
	[tilespmem:$0x1E500] =	vst v63  }
0x25: {  	_ =	swait.ge [sflag:s15], $0xA000  }
0x26: {  	[sflag:s15] =	ssyncset.done $0x0  }
0x27: {  	[sflag:s15] =	ssyncadd.s32 $0xFFFF6000  }
0x28: {  	[spmem:s3] =	stream.indirect.scatter.add.f32 [tilespmem:s18], [sflag:$0x1], $0x40, s17, s17, $0xb8;
	[tilespmem:$0x1E500] =	vst v63  }
0x29: {  	_ =	swait.ge [sflag:s15], $0xA000  }
0x2a: {  	s21 =	simm.s32 $0xA0;
	s20 =	simm.s32 $0x50;
	[sflag:s15] =	ssyncset.done $0x0  }
.LBB2_2:
0x2b: {  	s22 =	sadd.s32 s20, s13  }
0x2c: {  	[sflag:s15] =	ssyncadd.s32 $0xFFFF6000;
	s23 =	smov.u32 s21;
	s24 =	sadd.s32 $0x50, s21  }
0x2d: {  	[tilespmem:s4], [sflag:$0x1] =	stream.linear.gather [hbm4b:s22+s4], $0x280, $0x38;
	[tilespmem:$0x1E500] =	vst v63  }
0x2e: {  	p0 =	sne.s32 s21, $0x4B0;
	_ =	swait.ge [sflag:s15], $0x280  }
0x2f: {  	[sflag:s15] =	ssyncset.done $0x0  }
0x30: {  	s21 =	sadd.s32 s20, s12;
	s20 =	smov.u32 s23;
	[sflag:s15] =	ssyncadd.s32 $0xFFFFFD80  }
0x31: {  	[tilespmem:s17], [sflag:$0x1] =	stream.linear.gather [hbm4b:s21+s4], $0x280, $0x38;
	[tilespmem:$0x1E500] =	vst v63  }
0x32: {  	_ =	swait.ge [sflag:s15], $0x280  }
0x33: {  	[sflag:s15] =	ssyncset.done $0x0  }
0x34: {  	[sflag:s15] =	ssyncadd.s32 $0xFFFFFD80  }
0x35: {  	[tilespmem:s18], [sflag:$0x1] =	stream.indirect.gather [spmem:s2], $0x40, s4, s17, $0xb8;
	[tilespmem:$0x1E500] =	vst v63  }
0x36: {  	_ =	swait.ge [sflag:s15], $0xA000  }
.Ltmp0:
0x37: {  	[sflag:s15] =	ssyncset.done $0x0;
	(pc) =	sbr.rel @p0 .LBB2_2-.Ltmp0, $4  }
0x38: {  	[sflag:s15] =	ssyncadd.s32 $0xFFFF6000  }
0x39: {  	[spmem:s3] =	stream.indirect.scatter.add.f32 [tilespmem:s18], [sflag:$0x1], $0x40, s17, s17, $0xb8;
	[tilespmem:$0x1E500] =	vst v63  }
0x3a: {  	_ =	swait.ge [sflag:s15], $0xA000  }
0x3b: {  	s21 =	smov.u32 s24;
	[sflag:s15] =	ssyncset.done $0x0  }
0x3c: {  	s21 =	sadd.s32 s20, s13;
	[sflag:s15] =	ssyncadd.s32 $0xFFFF6000  }
0x3d: {  	[tilespmem:s4], [sflag:$0x1] =	stream.linear.gather [hbm4b:s21+s4], $0x280, $0x38;
	[tilespmem:$0x1E500] =	vst v63  }
0x3e: {  	_ =	swait.ge [sflag:s15], $0x280  }
0x3f: {  	[sflag:s15] =	ssyncset.done $0x0  }
0x40: {  	s29 =	sadd.s32 s20, s12;
	[sflag:s15] =	ssyncadd.s32 $0xFFFFFD80  }
0x41: {  	[tilespmem:s17], [sflag:$0x1] =	stream.linear.gather [hbm4b:s29+s4], $0x280, $0x38;
	[tilespmem:$0x1E500] =	vst v63  }
0x42: {  	_ =	swait.ge [sflag:s15], $0x280  }
0x43: {  	[sflag:s15] =	ssyncset.done $0x0  }
0x44: {  	[sflag:s15] =	ssyncadd.s32 $0xFFFFFD80  }
0x45: {  	[tilespmem:s18], [sflag:$0x1] =	stream.indirect.gather [spmem:s2], $0x40, s4, s17, $0xb8;
	[tilespmem:$0x1E500] =	vst v63  }
0x46: {  	_ =	swait.ge [sflag:s15], $0xA000  }
0x47: {  	[sflag:s15] =	ssyncset.done $0x0  }
0x48: {  	[sflag:s15] =	ssyncadd.s32 $0xFFFF6000  }
0x49: {  	[spmem:s3] =	stream.indirect.scatter.add.f32 [tilespmem:s18], [sflag:$0x1], $0x40, s17, s17, $0xb8;
	[tilespmem:$0x1E500] =	vst v63  }
0x4a: {  	_ =	swait.ge [sflag:s15], $0xA000  }
0x4b: {  	[sflag:s15] =	ssyncset.done $0x0  }
0x4c: {  	[sflag:s15] =	ssyncadd.s32 $0xFFFF6000  }
0x4d: {  	[bflag:$0x0] =	sbarrier.arrive $0xFFFF  }
0x4e: {  	[hbm:s10], [sflag:s6] =	dma.local [spmem:s16], $0x1400  }
0x4f: {  	_ =	swait.ge [sflag:s15], $0x1400  }
0x50: {  	[sflag:s15] =	ssyncset.done $0x0  }
0x51: {  	[sflag:s15] =	ssyncadd.s32 $0xFFFFEC00  }
0x52: {  	[bflag:$0x0] =	sbarrier.arrive $0xFFFF  }
0x53: {  	[spmem:s14], [sflag:s6] =	dma.local [hbm:s8], $0x1400  }
0x54: {  	_ =	swait.ge [sflag:s15], $0x1400  }
0x55: {  	[sflag:s15] =	ssyncset.done $0x0  }
0x56: {  	[sflag:s15] =	ssyncadd.s32 $0xFFFFEC00  }
0x57: {  	[spmem:s16], [sflag:s6] =	dma.local [hbm:s7], $0x1400  }
0x58: {  	_ =	swait.ge [sflag:s15], $0x1400  }
0x59: {  	[sflag:s15] =	ssyncset.done $0x0  }
0x5a: {  	[sflag:s15] =	ssyncadd.s32 $0xFFFFEC00  }
0x5b: {  	s30 =	sadd.s32 $0x0, s13;
	[bflag:$0x0] =	sbarrier.arrive $0xFFFF  }
0x5c: {  	[tilespmem:s4], [sflag:$0x1] =	stream.linear.gather [hbm4b:s30+s4], $0x280, $0x38;
	[tilespmem:$0x1E500] =	vst v63  }
0x5d: {  	_ =	swait.ge [sflag:s15], $0x280  }
0x5e: {  	[sflag:s15] =	ssyncset.done $0x0  }
0x5f: {  	s31 =	sadd.s32 $0x0, s12;
	[sflag:s15] =	ssyncadd.s32 $0xFFFFFD80  }
0x60: {  	[tilespmem:s17], [sflag:$0x1] =	stream.linear.gather [hbm4b:s31+s4], $0x280, $0x38;
	[tilespmem:$0x1E500] =	vst v63  }
0x61: {  	_ =	swait.ge [sflag:s15], $0x280  }
0x62: {  	[sflag:s15] =	ssyncset.done $0x0  }
0x63: {  	[sflag:s15] =	ssyncadd.s32 $0xFFFFFD80  }
0x64: {  	[tilespmem:s18], [sflag:$0x1] =	stream.indirect.gather [spmem:s2], $0x40, s4, s17, $0xb8;
	[tilespmem:$0x1E500] =	vst v63  }
0x65: {  	_ =	swait.ge [sflag:s15], $0xA000  }
0x66: {  	[sflag:s15] =	ssyncset.done $0x0  }
0x67: {  	[sflag:s15] =	ssyncadd.s32 $0xFFFF6000  }
0x68: {  	[spmem:s3] =	stream.indirect.scatter.add.f32 [tilespmem:s18], [sflag:$0x1], $0x40, s17, s17, $0xb8;
	[tilespmem:$0x1E500] =	vst v63  }
0x69: {  	_ =	swait.ge [sflag:s15], $0xA000  }
0x6a: {  	s20 =	simm.s32 $0x50;
	s21 =	simm.s32 $0xA0;
	[sflag:s15] =	ssyncset.done $0x0  }
.LBB2_4:
0x6b: {  	s22 =	sadd.s32 s20, s13  }
0x6c: {  	[sflag:s15] =	ssyncadd.s32 $0xFFFF6000;
	s23 =	smov.u32 s21;
	s24 =	sadd.s32 $0x50, s21  }
0x6d: {  	[tilespmem:s4], [sflag:$0x1] =	stream.linear.gather [hbm4b:s22+s4], $0x280, $0x38;
	[tilespmem:$0x1E500] =	vst v63  }
0x6e: {  	p0 =	sne.s32 s21, $0x4B0;
	_ =	swait.ge [sflag:s15], $0x280  }
0x6f: {  	[sflag:s15] =	ssyncset.done $0x0  }
0x70: {  	s21 =	sadd.s32 s20, s12;
	s20 =	smov.u32 s23;
	[sflag:s15] =	ssyncadd.s32 $0xFFFFFD80  }
0x71: {  	[tilespmem:s17], [sflag:$0x1] =	stream.linear.gather [hbm4b:s21+s4], $0x280, $0x38;
	[tilespmem:$0x1E500] =	vst v63  }
0x72: {  	_ =	swait.ge [sflag:s15], $0x280  }
0x73: {  	[sflag:s15] =	ssyncset.done $0x0  }
0x74: {  	[sflag:s15] =	ssyncadd.s32 $0xFFFFFD80  }
0x75: {  	[tilespmem:s18], [sflag:$0x1] =	stream.indirect.gather [spmem:s2], $0x40, s4, s17, $0xb8;
	[tilespmem:$0x1E500] =	vst v63  }
0x76: {  	_ =	swait.ge [sflag:s15], $0xA000  }
.Ltmp1:
0x77: {  	[sflag:s15] =	ssyncset.done $0x0;
	(pc) =	sbr.rel @p0 .LBB2_4-.Ltmp1, $4  }
0x78: {  	[sflag:s15] =	ssyncadd.s32 $0xFFFF6000  }
0x79: {  	[spmem:s3] =	stream.indirect.scatter.add.f32 [tilespmem:s18], [sflag:$0x1], $0x40, s17, s17, $0xb8;
	[tilespmem:$0x1E500] =	vst v63  }
0x7a: {  	_ =	swait.ge [sflag:s15], $0xA000  }
0x7b: {  	s21 =	smov.u32 s24;
	[sflag:s15] =	ssyncset.done $0x0  }
0x7c: {  	s21 =	sadd.s32 s20, s13;
	[sflag:s15] =	ssyncadd.s32 $0xFFFF6000  }
0x7d: {  	[tilespmem:s4], [sflag:$0x1] =	stream.linear.gather [hbm4b:s21+s4], $0x280, $0x38;
	[tilespmem:$0x1E500] =	vst v63  }
0x7e: {  	_ =	swait.ge [sflag:s15], $0x280  }
0x7f: {  	[sflag:s15] =	ssyncset.done $0x0  }
0x80: {  	s31 =	sadd.s32 s20, s12;
	[sflag:s15] =	ssyncadd.s32 $0xFFFFFD80  }
0x81: {  	[tilespmem:s17], [sflag:$0x1] =	stream.linear.gather [hbm4b:s31+s4], $0x280, $0x38;
	[tilespmem:$0x1E500] =	vst v63  }
0x82: {  	_ =	swait.ge [sflag:s15], $0x280  }
0x83: {  	[sflag:s15] =	ssyncset.done $0x0  }
0x84: {  	[sflag:s15] =	ssyncadd.s32 $0xFFFFFD80  }
0x85: {  	[tilespmem:s18], [sflag:$0x1] =	stream.indirect.gather [spmem:s2], $0x40, s4, s17, $0xb8;
	[tilespmem:$0x1E500] =	vst v63  }
0x86: {  	_ =	swait.ge [sflag:s15], $0xA000  }
0x87: {  	[sflag:s15] =	ssyncset.done $0x0  }
0x88: {  	[sflag:s15] =	ssyncadd.s32 $0xFFFF6000  }
0x89: {  	[spmem:s3] =	stream.indirect.scatter.add.f32 [tilespmem:s18], [sflag:$0x1], $0x40, s17, s17, $0xb8;
	[tilespmem:$0x1E500] =	vst v63  }
0x8a: {  	_ =	swait.ge [sflag:s15], $0xA000  }
0x8b: {  	[sflag:s15] =	ssyncset.done $0x0  }
0x8c: {  	s19 =	sadd.s32 $0x1, s19;
	[sflag:s15] =	ssyncadd.s32 $0xFFFF6000  }
0x8d: {  	p0 =	sne.s32 s19, s9;
	[bflag:$0x0] =	sbarrier.arrive $0xFFFF  }
0x8e: {  	[hbm:s11], [sflag:s6] =	dma.local [spmem:s16], $0x1400  }
.Ltmp2:
0x8f: {  	_ =	swait.ge [sflag:s15], $0x1400;
	(pc) =	sbr.rel @p0 .LBB2_1-.Ltmp2, $3  }
0x90: {  	[sflag:s15] =	ssyncset.done $0x0  }
0x91: {  	[sflag:s15] =	ssyncadd.s32 $0xFFFFEC00  }
0x92: {  	[bflag:$0x0] =	sbarrier.arrive $0xFFFF;
	_ =	sdelay $0x1  }
0x93: {  	_ =	sfence.sel $0x180000  }
0x94: {  	[bflag:$0x0] =	sbarrier.arrive $0xFFFF  }
0x95: {  	p0 =	sne.s32 s0, $0x0;
	_ =	strace $0x9000004D  }
0x96: {  	s0 =	sadd.s32 @!p0 $0x100000, s1;
	[bflag:$0x2] =	sbarrier.arrive $0xFFFF  }
0x97: {  	[sflag:s0] =	ssyncadd.tile.s32 @!p0 $0x1;
	_ =	shalt  }
.Lfunc_end2:
_tile_overlayer_lowered:
.L_overlay_start_2:
0x98: {  	(tag) =	ssettag $0x2  }
0x99: {  	s0 =	rddreg [dreg:$0x0];
	s2 =	stileid.u32  }
0x9a: {  	s1 =	rddreg [dreg:$0x1];
	p0 =	sne.s32 s2, $0x0  }
0x9b: {  	s3 =	rddreg [dreg:$0x2];
	[bflag:$0x3] =	sbarrier.arrive $0xFFFF;
	s2 =	simm.s32 @!p0 $0x1C01  }
0x9c: {  	[timem:s3], [sflag:s2] =	dma.local @!p0 [hbm:s0], s1  }
0x9d: {  	s0 =	simm.s32 @!p0 $0x1  }
0x9e: {  	_ =	swait.ge @!p0 [sflag:s0], s1  }
0x9f: {  	s1 =	ssub.s32 @!p0 $0x0, s1;
	[sflag:s0] =	ssyncset.done @!p0 $0x0  }
0xa0: {  	[sflag:s0] =	ssyncadd.s32 @!p0 s1  }
0xa1: {  	[bflag:$0x3] =	sbarrier.arrive $0xFFFF  }
0xa2: {  	_ =	shalt  }

// kernel: kernel.8.cloned.1.call-start
scs
__scs_entry_jumppad:
0x0: {  	(pc) =	sbr.rel $0x88, $3  }
0x1: {  	(tag) =	ssettag $0x0;
	lr =	simm.s32 $0x1  }
0x2: {  	[smem:$0x3F95] =	sst lr;
	_ =	strace $0xD0000000  }
0x3: {  	_ = 	snop  }
0x4: {  	_ = 	snop  }
0x5: {  	_ = 	snop  }
0x6: {  	_ = 	snop  }
0x7: {  	_ = 	snop  }
__scs_overlays_trampoline_lowered:
0x8: {  	[smem:$0x3FA4] =	sst s0  }
0x9: {  	[smem:$0x3FA5] =	sst s1  }
0xa: {  	[smem:$0x3FA6] =	sst s2  }
0xb: {  	[smem:$0x3FA7] =	sst s3  }
0xc: {  	[smem:$0x3FA8] =	sst s4  }
0xd: {  	[smem:$0x3FA9] =	sst s5  }
0xe: {  	[smem:$0x3FAA] =	sst s6  }
0xf: {  	[smem:$0x3FAB] =	sst s7  }
0x10: {  	[smem:$0x3FAC] =	sst s8  }
0x11: {  	[smem:$0x3FAD] =	sst s9;
	s0 =	simm.s32 @!p0 $0x0  }
0x12: {  	s1 =	sld [smem:$0x3F93];
	s0 =	simm.s32 @p0 $0x1  }
0x13: {  	[smem:$0x3FAE] =	sst s0;
	s0 =	simm.s32 @!p1 $0x0  }
0x14: {  	s2 =	sld [smem:$0x3F92];
	s0 =	simm.s32 @p1 $0x1  }
0x15: {  	[smem:$0x3FAF] =	sst s0;
	s0 =	simm.s32 @!p2 $0x0  }
0x16: {  	s3 =	sld [smem:$0x3FDB];
	s0 =	simm.s32 @p2 $0x1  }
0x17: {  	s4 =	simm.s32 $0x1BF5;
	[smem:$0x3FB1] =	sst s0  }
0x18: {  	s0 =	sld [smem:$0x3F94];
	_ =	swait.ge [sflag:s4], $0x0  }
0x19: {  	s7 =	sld [smem:$0x3F95]  }
0x1a: {  	s8 =	sadd.s32 $0xFFFFE003, lr  }
0x1b: {  	s9 =	sadd.s32 $0xFFFFFEF7, lr;
	s5 =	simm.s32 $0xFFFFFFFF;
	p2 =	slt.u32 s8, $0xFFFFF086  }
0x1c: {  	p1 =	slt.u32 s9, $0xF7A;
	s5 =	simm.s32 @!p2 $0x0  }
0x1d: {  	s5 =	simm.s32 @p1 $0x1;
	p0 =	seq.s32 s7, s2  }
0x1e: {  	s7 =	smul.u32 @!p0 $0xF7A, s2;
	p2 =	seq.s32 @!p0 s5, $0x0  }
0x1f: {  	s9 =	smul.u32 $0xF7A, s1;
	s8 =	simm.s32 @!p0 $0x1BF5;
	p2 =	por !p2, p0  }
0x20: {  	[sflag:s8] =	ssyncset.s32 @!p0 $0xFFFFF086;
	s6 =	sadd.s32 @!p0 s3, s7;
	s7 =	simm.s32 @!p0 $0x108  }
0x21: {  	s3 =	sadd.s32 s3, s9;
	s6 =	sadd.s32 @!p0 $0x88, s6;
	s7 =	simm.s32 @p2 $0x1082  }
0x22: {  	[simem:s7], [sflag:s8] =	dma.local @!p0 [hbm:s6], $0xF7A  }
0x23: {  	s9 =	sor.u32 $0xD0000000, s2;
	s6 =	simm.s32 $0x108;
	_ =	swait.ge @!p0 [sflag:s8], $0x0  }
0x24: {  	s3 =	sadd.s32 $0x88, s3;
	s6 =	simm.s32 @!p1 $0x1082;
	[sflag:s4] =	ssyncset.s32 $0xFFFFF086  }
0x25: {  	[simem:s6], [sflag:s4] =	dma.local [hbm:s3], $0xF7A  }
0x26: {  	[smem:$0x3F95] =	sst s1;
	(tag) =	ssettag s2;
	_ =	strace s9  }
0x27: {  	s1 =	sld [smem:$0x3FA5]  }
0x28: {  	s2 =	sld [smem:$0x3FA6]  }
0x29: {  	s4 =	sld [smem:$0x3FA8]  }
0x2a: {  	p0 =	seq.s32 s5, $0x0;
	s5 =	sld [smem:$0x3FA9]  }
0x2b: {  	s6 =	sld [smem:$0x3FAA]  }
0x2c: {  	s7 =	sld [smem:$0x3FAB]  }
0x2d: {  	s3 =	simm.s32 $0x108;
	s8 =	sld [smem:$0x3FAC]  }
0x2e: {  	s3 =	simm.s32 @!p0 $0x1082;
	s9 =	sld [smem:$0x3FAD]  }
0x2f: {  	lr =	sadd.s32 s0, s3;
	s0 =	sld [smem:$0x3FA4]  }
0x30: {  	s3 =	sld [smem:$0x3FA7]  }
0x31: {  	[smem:$0x3FB0] =	sst s10  }
0x32: {  	s10 =	sld [smem:$0x3FAE];
	_ =	sdelay $0x3  }
0x33: {  	p0 =	seq.s32 s10, $0x1;
	s10 =	sld [smem:$0x3FB0];
	_ =	sdelay $0x3  }
0x34: {  	[smem:$0x3FB0] =	sst s10  }
0x35: {  	s10 =	sld [smem:$0x3FAF];
	_ =	sdelay $0x3  }
0x36: {  	p1 =	seq.s32 s10, $0x1;
	s10 =	sld [smem:$0x3FB0];
	_ =	sdelay $0x3  }
0x37: {  	[smem:$0x3FB0] =	sst s10  }
0x38: {  	s10 =	sld [smem:$0x3FB1]  }
0x39: {  	_ = 	snop;
	(pc) =	sbr.ind lr, $3  }
0x3a: {  	_ = 	snop  }
0x3b: {  	_ = 	snop  }
0x3c: {  	p2 =	seq.s32 s10, $0x1;
	s10 =	sld [smem:$0x3FB0]  }
0x3d: {  	_ =	shalt  }
0x3e: {  	_ =	shalt  }
0x3f: {  	_ =	shalt  }
0x40: {  	_ =	shalt  }
0x41: {  	_ =	shalt  }
0x42: {  	_ =	shalt  }
0x43: {  	_ =	shalt  }
0x44: {  	_ =	shalt  }
0x45: {  	_ =	shalt  }
0x46: {  	_ =	shalt  }
0x47: {  	_ =	shalt  }
0x48: {  	_ =	shalt  }
0x49: {  	_ =	shalt  }
0x4a: {  	_ =	shalt  }
0x4b: {  	_ =	shalt  }
0x4c: {  	_ =	shalt  }
0x4d: {  	_ =	shalt  }
0x4e: {  	_ =	shalt  }
0x4f: {  	_ =	shalt  }
0x50: {  	_ =	shalt  }
0x51: {  	_ =	shalt  }
0x52: {  	_ =	shalt  }
0x53: {  	_ =	shalt  }
0x54: {  	_ =	shalt  }
0x55: {  	_ =	shalt  }
0x56: {  	_ =	shalt  }
0x57: {  	_ =	shalt  }
0x58: {  	_ =	shalt  }
0x59: {  	_ =	shalt  }
0x5a: {  	_ =	shalt  }
0x5b: {  	_ =	shalt  }
0x5c: {  	_ =	shalt  }
0x5d: {  	_ =	shalt  }
0x5e: {  	_ =	shalt  }
0x5f: {  	_ =	shalt  }
0x60: {  	_ =	shalt  }
0x61: {  	_ =	shalt  }
0x62: {  	_ =	shalt  }
0x63: {  	_ =	shalt  }
0x64: {  	_ =	shalt  }
0x65: {  	_ =	shalt  }
0x66: {  	_ =	shalt  }
0x67: {  	_ =	shalt  }
0x68: {  	_ =	shalt  }
0x69: {  	_ =	shalt  }
0x6a: {  	_ =	shalt  }
0x6b: {  	_ =	shalt  }
0x6c: {  	_ =	shalt  }
0x6d: {  	_ =	shalt  }
0x6e: {  	_ =	shalt  }
0x6f: {  	_ =	shalt  }
0x70: {  	_ =	shalt  }
0x71: {  	_ =	shalt  }
0x72: {  	_ =	shalt  }
0x73: {  	_ =	shalt  }
0x74: {  	_ =	shalt  }
0x75: {  	_ =	shalt  }
0x76: {  	_ =	shalt  }
0x77: {  	_ =	shalt  }
0x78: {  	_ =	shalt  }
0x79: {  	_ =	shalt  }
0x7a: {  	_ =	shalt  }
0x7b: {  	_ =	shalt  }
0x7c: {  	_ =	shalt  }
0x7d: {  	_ =	shalt  }
0x7e: {  	_ =	shalt  }
0x7f: {  	_ =	shalt  }
0x80: {  	_ =	shalt  }
0x81: {  	_ =	shalt  }
0x82: {  	_ =	shalt  }
0x83: {  	_ =	shalt  }
0x84: {  	_ =	shalt  }
0x85: {  	_ =	shalt  }
0x86: {  	_ =	shalt  }
0x87: {  	_ =	shalt  }
.Lfunc_end0:
.L_simem_size_0:
called_computation_lowered:
.L_overlay_start_0:
0x88: {  	s2 =	sld [smem:$0x3FD9]  }
0x89: {  	s3 =	sld [smem:$0x3FFE];
	_ =	sdelay $0x1  }
0x8a: {  	s1 =	srdreg.scid  }
0x8b: {  	s0 =	sand.u32 $0x1, s1  }
0x8c: {  	s14 =	sshll.u32 s0, $0xA;
	s2 =	sadd.s32 s3, s2  }
0x8d: {  	s2 =	sadd.s32 s2, s14  }
0x8e: {  	[smem:$0x3FBC] =	sst s2  }
0x8f: {  	_ = 	snop  }
0x90: {  	s2 =	sld [smem:$0x3FD0];
	_ =	sdelay $0x2  }
0x91: {  	s15 =	simm.s32 $0xA;
	s4 =	simm.s32 $0x10  }
0x92: {  	[smem:s4], [sflag:s15] =	dma.local [hbm:s2], $0x1  }
0x93: {  	_ =	swait.eq [sflag:s15], $0x1  }
0x94: {  	[sflag:s15] =	ssyncset.done $0x0  }
0x95: {  	s16 =	sld [smem:$0x10];
	[sflag:s15] =	ssyncadd.s32 $0xFFFFFFFF  }
0x96: {  	s17 =	sld [smem:$0x11];
	(tm) =	ssettm $0x1  }
0x97: {  	s18 =	sld [smem:$0x3FFB];
	_ =	sdelay $0x3  }
0x98: {  	_ =	strace s18  }
0x99: {  	s4 =	sld [smem:$0x3FFC];
	_ =	sdelay $0x3  }
0x9a: {  	_ =	strace s4  }
0x9b: {  	s4 =	sld [smem:$0x3FFD];
	_ =	sdelay $0x3  }
0x9c: {  	_ =	strace s4  }
0x9d: {  	_ =	strace $0x8FFFFFFF  }
0x9e: {  	s19 =	sld [smem:$0x3FDB];
	_ =	sdelay $0x1  }
0x9f: {  	s5 =	simm.s32 $_scs_section_size  }
0xa0: {  	s6 =	simm.s32 $_size__tile_overlayer_lowered;
	s7 =	simm.s32 $_tile_overlayer_lowered  }
0xa1: {  	s22 =	simm.s32 $0x1BFF;
	s21 =	sshll.u32 s7, $0x1;
	s4 =	sadd.s32 s5, s19  }
0xa2: {  	s8 =	simm.s32 $0x0;
	s20 =	sshll.u32 s6, $0x1;
	s6 =	sadd.s32 s21, s4  }
0xa3: {  	[timem:s8], [sflag:s22] =	dma.local [hbm:s6], s20  }
0xa4: {  	_ =	swait.ge [sflag:s22], s20  }
0xa5: {  	s5 =	ssub.s32 $0x0, s20;
	[sflag:s22] =	ssyncset.done $0x0  }
0xa6: {  	[sflag:s22] =	ssyncadd.s32 s5;
	_ =	sdelay $0x1  }
0xa7: {  	s23 =	simm.s32 $0x1B8B  }
0xa8: {  	_ =	swait.ge [sflag:s23], $0x1  }
0xa9: {  	[sflag:s23] =	ssyncset.done $0x0  }
0xaa: {  	s25 =	simm.s32 $0x1B8E;
	s24 =	sld [smem:$0x3FFE];
	[sflag:s23] =	ssyncadd.s32 $0xFFFFFFFF  }
0xab: {  	s26 =	simm.s32 $execute0_lowered;
	[smem:$0x3FD2] =	sst s25  }
0xac: {  	s6 =	sshll.u32 s26, $0x1;
	_ =	strace $0x80000046;
	[dreg:$0x1] =	wrdreg $0xFFFFFFFF  }
0xad: {  	s28 =	simm.s32 $_size_execute0_lowered;
	s4 =	sadd.s32 s4, s6;
	[dreg:$0x0] =	wrdreg $0x0  }
0xae: {  	s6 =	sshll.u32 s28, $0x1;
	[dreg:$0x2] =	wrdreg s4  }
0xaf: {  	[dreg:$0x3] =	wrdreg s6  }
0xb0: {  	[dreg:$0x4] =	wrdreg $0xC0  }
0xb1: {  	_ =	task [dreg:s8], $0x5FFFF  }
0xb2: {  	[dreg:$0x1] =	wrdreg $0xFFFFFFFF  }
0xb3: {  	[dreg:$0x0] =	wrdreg $0x60  }
0xb4: {  	[dreg:$0x2] =	wrdreg s17  }
0xb5: {  	[dreg:$0x3] =	wrdreg s24  }
0xb6: {  	[dreg:$0x4] =	wrdreg s16  }
0xb7: {  	[dreg:$0x5] =	wrdreg $0x88000  }
0xb8: {  	[dreg:$0x6] =	wrdreg $0x9  }
0xb9: {  	_ =	task.clear_ibuf [dreg:s8], $0x7FFFF;
	_ =	strace $0x90000046  }
0xba: {  	s29 =	simm.s32 $0x9;
	_ =	strace $0x80000048  }
0xbb: {  	_ =	swait.ge [sflag:s29], $0x1  }
0xbc: {  	[sflag:s29] =	ssyncadd.s32 $0xFFFFFFFF  }
0xbd: {  	_ =	strace $0x90000048  }
0xbe: {  	_ =	sfence  }
0xbf: {  	s30 =	sld [smem:$0x0];
	_ =	sdelay $0x2  }
0xc0: {  	s31 =	sshll.u32 s1, $0xD;
	s1 =	sshrl.u32 s1, $0x2  }
0xc1: {  	s3 =	sand.u32 $0x4000, s31;
	s1 =	sadd.s32 s1, s30  }
0xc2: {  	s0 =	sor.u32 s3, s0;
	s1 =	sshll.u32 s1, $0x11  }
0xc3: {  	s0 =	sor.u32 s1, s0  }
0xc4: {  	s0 =	sadd.s32 $0x8F2B, s0  }
0xc5: {  	[sflag:s0] =	ssyncadd.remote.s32 $0x1  }
0xc6: {  	_ =	sfence.sel $0xFFFF  }
0xc7: {  	[dreg:$0x0] =	wrdreg $0xFFFFFFFF;
	(pc) =	sbr.abs _section_cstart, $3  }
0xc8: {  	[dreg:$0x1] =	wrdreg $0xFFFFFFFF  }
0xc9: {  	_ =	task.clear_ibuf [dreg:s8], $0x2FFFF;
	_ =	strace $0x9FFFFFFF  }
0xca: {  	(tm) =	ssettm $0x7FFFFFFF  }
0xcb: {  	_ =	shalt  }
tec
execute0_lowered:
.L_overlay_start_1:
0x0: {  	(tag) =	ssettag $0x1  }
0x1: {  	s10 =	rddreg [dreg:$0x0]  }
0x2: {  	s20 =	rddreg [dreg:$0x1]  }
0x3: {  	s7 =	rddreg [dreg:$0x2]  }
0x4: {  	s2 =	rddreg [dreg:$0x3]  }
0x5: {  	s0 =	rddreg [dreg:$0x4]  }
0x6: {  	s3 =	simm.s32 $0x0;
	s4 =	srdreg.scid;
	s1 =	stileid.u32  }
0x7: {  	s6 =	simm.s32 $0x800;
	[smem:$0x7FF] =	sst s3;
	s21 =	sand.u32 $0x1, s4  }
0x8: {  	s5 =	sshll.u32 s1, $0x1;
	s4 =	sadd.s32 $0x1A400, s20;
	s8 =	smul.u32 $0x5000, s1  }
0x9: {  	_ =	strace $0x80000047;
	s11 =	sor.u32 s21, s5;
	s5 =	simm.s32 $0x1  }
0xa: {  	[tilespmem:s6], [sflag:$0x1] =	stream.linear.gather [hbm4b:s4+s3], $0x8000, $0x38;
	[tilespmem:$0xD800] =	vst v63  }
0xb: {  	s30 =	sshll.u32 s1, $0x6;
	s9 =	sadd.s32 s8, s2;
	_ =	swait.ge [sflag:s5], $0x8000  }
0xc: {  	s22 =	sshrl.u32 s8, $0x3;
	s8 =	sor.u32 $0x1C01, s30;
	[sflag:s5] =	ssyncset.done $0x0  }
0xd: {  	s7 =	sadd.s32 s7, s22;
	s9 =	sshrl.u32 s9, $0x3;
	[sflag:s5] =	ssyncadd.s32 $0xFFFF8000  }
0xe: {  	[spmem:s9], [sflag:s8] =	dma.local [hbm:s7], $0xA00  }
0xf: {  	s11 =	smul.u32 $0x5000, s11;
	_ =	swait.ge [sflag:s5], $0xA00  }
0x10: {  	[sflag:s5] =	ssyncset.done $0x0  }
0x11: {  	s11 =	sshrl.u32 s11, $0x3;
	[sflag:s5] =	ssyncadd.s32 $0xFFFFF600  }
0x12: {  	s10 =	sadd.s32 s10, s11;
	[bflag:$0x0] =	sbarrier.arrive $0xFFFF  }
0x13: {  	[tilespmem:s3], [sflag:$0x1] =	stream.linear.gather [hbm4b:s10+s3], $0x800, $0x38;
	[tilespmem:$0xD800] =	vst v63  }
0x14: {  	_ =	swait.ge [sflag:s5], $0x800  }
0x15: {  	[sflag:s5] =	ssyncset.done $0x0  }
0x16: {  	[sflag:s5] =	ssyncadd.s32 $0xFFFFF800  }
0x17: {  	[spmem:s2] =	stream.indirect.scatter.add.f32 [tilespmem:s6], [sflag:$0x1], $0x10, s3, s6, $0xb8;
	[tilespmem:$0xD800] =	vst v63  }
0x18: {  	_ =	swait.ge [sflag:s5], $0x8000  }
0x19: {  	[sflag:s5] =	ssyncset.done $0x0  }
0x1a: {  	s11 =	sadd.s32 $0x100, s10;
	[sflag:s5] =	ssyncadd.s32 $0xFFFF8000  }
0x1b: {  	[tilespmem:s3], [sflag:$0x1] =	stream.linear.gather [hbm4b:s11+s3], $0x800, $0x38;
	[tilespmem:$0xD800] =	vst v63  }
0x1c: {  	_ =	swait.ge [sflag:s5], $0x800  }
0x1d: {  	[sflag:s5] =	ssyncset.done $0x0  }
0x1e: {  	[sflag:s5] =	ssyncadd.s32 $0xFFFFF800  }
0x1f: {  	[spmem:s2] =	stream.indirect.scatter.add.f32 [tilespmem:s6], [sflag:$0x1], $0x10, s3, s6, $0xb8;
	[tilespmem:$0xD800] =	vst v63  }
0x20: {  	_ =	swait.ge [sflag:s5], $0x8000  }
0x21: {  	[sflag:s5] =	ssyncset.done $0x0  }
0x22: {  	s12 =	sadd.s32 $0x200, s10;
	[sflag:s5] =	ssyncadd.s32 $0xFFFF8000  }
0x23: {  	[tilespmem:s3], [sflag:$0x1] =	stream.linear.gather [hbm4b:s12+s3], $0x800, $0x38;
	[tilespmem:$0xD800] =	vst v63  }
0x24: {  	_ =	swait.ge [sflag:s5], $0x800  }
0x25: {  	[sflag:s5] =	ssyncset.done $0x0  }
0x26: {  	[sflag:s5] =	ssyncadd.s32 $0xFFFFF800  }
0x27: {  	[spmem:s2] =	stream.indirect.scatter.add.f32 [tilespmem:s6], [sflag:$0x1], $0x10, s3, s6, $0xb8;
	[tilespmem:$0xD800] =	vst v63  }
0x28: {  	_ =	swait.ge [sflag:s5], $0x8000  }
0x29: {  	[sflag:s5] =	ssyncset.done $0x0  }
0x2a: {  	s13 =	sadd.s32 $0x300, s10;
	[sflag:s5] =	ssyncadd.s32 $0xFFFF8000  }
0x2b: {  	[tilespmem:s3], [sflag:$0x1] =	stream.linear.gather [hbm4b:s13+s3], $0x800, $0x38;
	[tilespmem:$0xD800] =	vst v63  }
0x2c: {  	_ =	swait.ge [sflag:s5], $0x800  }
0x2d: {  	[sflag:s5] =	ssyncset.done $0x0  }
0x2e: {  	[sflag:s5] =	ssyncadd.s32 $0xFFFFF800  }
0x2f: {  	[spmem:s2] =	stream.indirect.scatter.add.f32 [tilespmem:s6], [sflag:$0x1], $0x10, s3, s6, $0xb8;
	[tilespmem:$0xD800] =	vst v63  }
0x30: {  	_ =	swait.ge [sflag:s5], $0x8000  }
0x31: {  	[sflag:s5] =	ssyncset.done $0x0  }
0x32: {  	s14 =	sadd.s32 $0x400, s10;
	[sflag:s5] =	ssyncadd.s32 $0xFFFF8000  }
0x33: {  	[tilespmem:s3], [sflag:$0x1] =	stream.linear.gather [hbm4b:s14+s3], $0x800, $0x38;
	[tilespmem:$0xD800] =	vst v63  }
0x34: {  	_ =	swait.ge [sflag:s5], $0x800  }
0x35: {  	[sflag:s5] =	ssyncset.done $0x0  }
0x36: {  	[sflag:s5] =	ssyncadd.s32 $0xFFFFF800  }
0x37: {  	[spmem:s2] =	stream.indirect.scatter.add.f32 [tilespmem:s6], [sflag:$0x1], $0x10, s3, s6, $0xb8;
	[tilespmem:$0xD800] =	vst v63  }
0x38: {  	_ =	swait.ge [sflag:s5], $0x8000  }
0x39: {  	[sflag:s5] =	ssyncset.done $0x0  }
0x3a: {  	s15 =	sadd.s32 $0x500, s10;
	[sflag:s5] =	ssyncadd.s32 $0xFFFF8000  }
0x3b: {  	[tilespmem:s3], [sflag:$0x1] =	stream.linear.gather [hbm4b:s15+s3], $0x800, $0x38;
	[tilespmem:$0xD800] =	vst v63  }
0x3c: {  	_ =	swait.ge [sflag:s5], $0x800  }
0x3d: {  	[sflag:s5] =	ssyncset.done $0x0  }
0x3e: {  	[sflag:s5] =	ssyncadd.s32 $0xFFFFF800  }
0x3f: {  	[spmem:s2] =	stream.indirect.scatter.add.f32 [tilespmem:s6], [sflag:$0x1], $0x10, s3, s6, $0xb8;
	[tilespmem:$0xD800] =	vst v63  }
0x40: {  	_ =	swait.ge [sflag:s5], $0x8000  }
0x41: {  	[sflag:s5] =	ssyncset.done $0x0  }
0x42: {  	s16 =	sadd.s32 $0x600, s10;
	[sflag:s5] =	ssyncadd.s32 $0xFFFF8000  }
0x43: {  	[tilespmem:s3], [sflag:$0x1] =	stream.linear.gather [hbm4b:s16+s3], $0x800, $0x38;
	[tilespmem:$0xD800] =	vst v63  }
0x44: {  	_ =	swait.ge [sflag:s5], $0x800  }
0x45: {  	[sflag:s5] =	ssyncset.done $0x0  }
0x46: {  	[sflag:s5] =	ssyncadd.s32 $0xFFFFF800  }
0x47: {  	[spmem:s2] =	stream.indirect.scatter.add.f32 [tilespmem:s6], [sflag:$0x1], $0x10, s3, s6, $0xb8;
	[tilespmem:$0xD800] =	vst v63  }
0x48: {  	_ =	swait.ge [sflag:s5], $0x8000  }
0x49: {  	[sflag:s5] =	ssyncset.done $0x0  }
0x4a: {  	s17 =	sadd.s32 $0x700, s10;
	[sflag:s5] =	ssyncadd.s32 $0xFFFF8000  }
0x4b: {  	[tilespmem:s3], [sflag:$0x1] =	stream.linear.gather [hbm4b:s17+s3], $0x800, $0x38;
	[tilespmem:$0xD800] =	vst v63  }
0x4c: {  	_ =	swait.ge [sflag:s5], $0x800  }
0x4d: {  	[sflag:s5] =	ssyncset.done $0x0  }
0x4e: {  	[sflag:s5] =	ssyncadd.s32 $0xFFFFF800  }
0x4f: {  	[spmem:s2] =	stream.indirect.scatter.add.f32 [tilespmem:s6], [sflag:$0x1], $0x10, s3, s6, $0xb8;
	[tilespmem:$0xD800] =	vst v63  }
0x50: {  	_ =	swait.ge [sflag:s5], $0x8000  }
0x51: {  	[sflag:s5] =	ssyncset.done $0x0  }
0x52: {  	s18 =	sadd.s32 $0x800, s10;
	[sflag:s5] =	ssyncadd.s32 $0xFFFF8000  }
0x53: {  	[tilespmem:s3], [sflag:$0x1] =	stream.linear.gather [hbm4b:s18+s3], $0x800, $0x38;
	[tilespmem:$0xD800] =	vst v63  }
0x54: {  	_ =	swait.ge [sflag:s5], $0x800  }
0x55: {  	[sflag:s5] =	ssyncset.done $0x0  }
0x56: {  	[sflag:s5] =	ssyncadd.s32 $0xFFFFF800  }
0x57: {  	[spmem:s2] =	stream.indirect.scatter.add.f32 [tilespmem:s6], [sflag:$0x1], $0x10, s3, s6, $0xb8;
	[tilespmem:$0xD800] =	vst v63  }
0x58: {  	_ =	swait.ge [sflag:s5], $0x8000  }
0x59: {  	[sflag:s5] =	ssyncset.done $0x0  }
0x5a: {  	s19 =	sadd.s32 $0x900, s10;
	[sflag:s5] =	ssyncadd.s32 $0xFFFF8000  }
0x5b: {  	[tilespmem:s3], [sflag:$0x1] =	stream.linear.gather [hbm4b:s19+s3], $0x800, $0x38;
	[tilespmem:$0xD800] =	vst v63  }
0x5c: {  	s23 =	ssub.s32 $0x2, s21;
	_ =	swait.ge [sflag:s5], $0x800  }
0x5d: {  	s24 =	sshrl.u32 s23, $0x1;
	[sflag:s5] =	ssyncset.done $0x0  }
0x5e: {  	p0 =	seq.s32 s21, $0x1;
	s23 =	ssub.s32 s23, s24;
	[sflag:s5] =	ssyncadd.s32 $0xFFFFF800  }
0x5f: {  	[spmem:s2] =	stream.indirect.scatter.add.f32 [tilespmem:s6], [sflag:$0x1], $0x10, s3, s6, $0xb8;
	[tilespmem:$0xD800] =	vst v63  }
0x60: {  	s21 =	simm.s32 $0x1B400;
	s31 =	smax.u32 s23, $0x1;
	_ =	swait.ge [sflag:s5], $0x8000  }
0x61: {  	s21 =	simm.s32 @!p0 $0x25400;
	p0 =	sne.s32 s31, $0x1;
	[sflag:s5] =	ssyncset.done $0x0  }
.Ltmp0:
0x62: {  	s20 =	sadd.s32 s21, s20;
	[sflag:s5] =	ssyncadd.s32 $0xFFFF8000;
	(pc) =	sbr.rel @!p0 .LBB2_2-.Ltmp0, $4  }
0x63: {  	s20 =	sadd.s32 s20, s22;
	[bflag:$0x0] =	sbarrier.arrive $0xFFFF  }
0x64: {  	[hbm:s20], [sflag:s8] =	dma.local [spmem:s9], $0xA00  }
0x65: {  	_ =	swait.ge [sflag:s5], $0xA00  }
0x66: {  	s21 =	sadd.s32 $0xFFFFFFFF, s31;
	[sflag:s5] =	ssyncset.done $0x0  }
.LBB2_1:
0x67: {  	p0 =	sne.s32 s21, $0x1;
	s21 =	sadd.s32 $0xFFFFFFFF, s21;
	[sflag:s5] =	ssyncadd.s32 $0xFFFFF600  }
0x68: {  	[tilespmem:s6], [sflag:$0x1] =	stream.linear.gather [hbm4b:s4+s3], $0x8000, $0x38;
	[tilespmem:$0xD800] =	vst v63  }
0x69: {  	_ =	swait.ge [sflag:s5], $0x8000  }
0x6a: {  	[sflag:s5] =	ssyncset.done $0x0  }
0x6b: {  	[sflag:s5] =	ssyncadd.s32 $0xFFFF8000  }
0x6c: {  	[spmem:s9], [sflag:s8] =	dma.local [hbm:s7], $0xA00  }
0x6d: {  	_ =	swait.ge [sflag:s5], $0xA00  }
0x6e: {  	[sflag:s5] =	ssyncset.done $0x0  }
0x6f: {  	[sflag:s5] =	ssyncadd.s32 $0xFFFFF600  }
0x70: {  	[bflag:$0x0] =	sbarrier.arrive $0xFFFF  }
0x71: {  	[tilespmem:s3], [sflag:$0x1] =	stream.linear.gather [hbm4b:s10+s3], $0x800, $0x38;
	[tilespmem:$0xD800] =	vst v63  }
0x72: {  	_ =	swait.ge [sflag:s5], $0x800  }
0x73: {  	[sflag:s5] =	ssyncset.done $0x0  }
0x74: {  	[sflag:s5] =	ssyncadd.s32 $0xFFFFF800  }
0x75: {  	[spmem:s2] =	stream.indirect.scatter.add.f32 [tilespmem:s6], [sflag:$0x1], $0x10, s3, s6, $0xb8;
	[tilespmem:$0xD800] =	vst v63  }
0x76: {  	_ =	swait.ge [sflag:s5], $0x8000  }
0x77: {  	[sflag:s5] =	ssyncset.done $0x0  }
0x78: {  	[sflag:s5] =	ssyncadd.s32 $0xFFFF8000  }
0x79: {  	[tilespmem:s3], [sflag:$0x1] =	stream.linear.gather [hbm4b:s11+s3], $0x800, $0x38;
	[tilespmem:$0xD800] =	vst v63  }
0x7a: {  	_ =	swait.ge [sflag:s5], $0x800  }
0x7b: {  	[sflag:s5] =	ssyncset.done $0x0  }
0x7c: {  	[sflag:s5] =	ssyncadd.s32 $0xFFFFF800  }
0x7d: {  	[spmem:s2] =	stream.indirect.scatter.add.f32 [tilespmem:s6], [sflag:$0x1], $0x10, s3, s6, $0xb8;
	[tilespmem:$0xD800] =	vst v63  }
0x7e: {  	_ =	swait.ge [sflag:s5], $0x8000  }
0x7f: {  	[sflag:s5] =	ssyncset.done $0x0  }
0x80: {  	[sflag:s5] =	ssyncadd.s32 $0xFFFF8000  }
0x81: {  	[tilespmem:s3], [sflag:$0x1] =	stream.linear.gather [hbm4b:s12+s3], $0x800, $0x38;
	[tilespmem:$0xD800] =	vst v63  }
0x82: {  	_ =	swait.ge [sflag:s5], $0x800  }
0x83: {  	[sflag:s5] =	ssyncset.done $0x0  }
0x84: {  	[sflag:s5] =	ssyncadd.s32 $0xFFFFF800  }
0x85: {  	[spmem:s2] =	stream.indirect.scatter.add.f32 [tilespmem:s6], [sflag:$0x1], $0x10, s3, s6, $0xb8;
	[tilespmem:$0xD800] =	vst v63  }
0x86: {  	_ =	swait.ge [sflag:s5], $0x8000  }
0x87: {  	[sflag:s5] =	ssyncset.done $0x0  }
0x88: {  	[sflag:s5] =	ssyncadd.s32 $0xFFFF8000  }
0x89: {  	[tilespmem:s3], [sflag:$0x1] =	stream.linear.gather [hbm4b:s13+s3], $0x800, $0x38;
	[tilespmem:$0xD800] =	vst v63  }
0x8a: {  	_ =	swait.ge [sflag:s5], $0x800  }
0x8b: {  	[sflag:s5] =	ssyncset.done $0x0  }
0x8c: {  	[sflag:s5] =	ssyncadd.s32 $0xFFFFF800  }
0x8d: {  	[spmem:s2] =	stream.indirect.scatter.add.f32 [tilespmem:s6], [sflag:$0x1], $0x10, s3, s6, $0xb8;
	[tilespmem:$0xD800] =	vst v63  }
0x8e: {  	_ =	swait.ge [sflag:s5], $0x8000  }
0x8f: {  	[sflag:s5] =	ssyncset.done $0x0  }
0x90: {  	[sflag:s5] =	ssyncadd.s32 $0xFFFF8000  }
0x91: {  	[tilespmem:s3], [sflag:$0x1] =	stream.linear.gather [hbm4b:s14+s3], $0x800, $0x38;
	[tilespmem:$0xD800] =	vst v63  }
0x92: {  	_ =	swait.ge [sflag:s5], $0x800  }
0x93: {  	[sflag:s5] =	ssyncset.done $0x0  }
0x94: {  	[sflag:s5] =	ssyncadd.s32 $0xFFFFF800  }
0x95: {  	[spmem:s2] =	stream.indirect.scatter.add.f32 [tilespmem:s6], [sflag:$0x1], $0x10, s3, s6, $0xb8;
	[tilespmem:$0xD800] =	vst v63  }
0x96: {  	_ =	swait.ge [sflag:s5], $0x8000  }
0x97: {  	[sflag:s5] =	ssyncset.done $0x0  }
0x98: {  	[sflag:s5] =	ssyncadd.s32 $0xFFFF8000  }
0x99: {  	[tilespmem:s3], [sflag:$0x1] =	stream.linear.gather [hbm4b:s15+s3], $0x800, $0x38;
	[tilespmem:$0xD800] =	vst v63  }
0x9a: {  	_ =	swait.ge [sflag:s5], $0x800  }
0x9b: {  	[sflag:s5] =	ssyncset.done $0x0  }
0x9c: {  	[sflag:s5] =	ssyncadd.s32 $0xFFFFF800  }
0x9d: {  	[spmem:s2] =	stream.indirect.scatter.add.f32 [tilespmem:s6], [sflag:$0x1], $0x10, s3, s6, $0xb8;
	[tilespmem:$0xD800] =	vst v63  }
0x9e: {  	_ =	swait.ge [sflag:s5], $0x8000  }
0x9f: {  	[sflag:s5] =	ssyncset.done $0x0  }
0xa0: {  	[sflag:s5] =	ssyncadd.s32 $0xFFFF8000  }
0xa1: {  	[tilespmem:s3], [sflag:$0x1] =	stream.linear.gather [hbm4b:s16+s3], $0x800, $0x38;
	[tilespmem:$0xD800] =	vst v63  }
0xa2: {  	_ =	swait.ge [sflag:s5], $0x800  }
0xa3: {  	[sflag:s5] =	ssyncset.done $0x0  }
0xa4: {  	[sflag:s5] =	ssyncadd.s32 $0xFFFFF800  }
0xa5: {  	[spmem:s2] =	stream.indirect.scatter.add.f32 [tilespmem:s6], [sflag:$0x1], $0x10, s3, s6, $0xb8;
	[tilespmem:$0xD800] =	vst v63  }
0xa6: {  	_ =	swait.ge [sflag:s5], $0x8000  }
0xa7: {  	[sflag:s5] =	ssyncset.done $0x0  }
0xa8: {  	[sflag:s5] =	ssyncadd.s32 $0xFFFF8000  }
0xa9: {  	[tilespmem:s3], [sflag:$0x1] =	stream.linear.gather [hbm4b:s17+s3], $0x800, $0x38;
	[tilespmem:$0xD800] =	vst v63  }
0xaa: {  	_ =	swait.ge [sflag:s5], $0x800  }
0xab: {  	[sflag:s5] =	ssyncset.done $0x0  }
0xac: {  	[sflag:s5] =	ssyncadd.s32 $0xFFFFF800  }
0xad: {  	[spmem:s2] =	stream.indirect.scatter.add.f32 [tilespmem:s6], [sflag:$0x1], $0x10, s3, s6, $0xb8;
	[tilespmem:$0xD800] =	vst v63  }
0xae: {  	_ =	swait.ge [sflag:s5], $0x8000  }
0xaf: {  	[sflag:s5] =	ssyncset.done $0x0  }
0xb0: {  	[sflag:s5] =	ssyncadd.s32 $0xFFFF8000  }
0xb1: {  	[tilespmem:s3], [sflag:$0x1] =	stream.linear.gather [hbm4b:s18+s3], $0x800, $0x38;
	[tilespmem:$0xD800] =	vst v63  }
0xb2: {  	_ =	swait.ge [sflag:s5], $0x800  }
0xb3: {  	[sflag:s5] =	ssyncset.done $0x0  }
0xb4: {  	[sflag:s5] =	ssyncadd.s32 $0xFFFFF800  }
0xb5: {  	[spmem:s2] =	stream.indirect.scatter.add.f32 [tilespmem:s6], [sflag:$0x1], $0x10, s3, s6, $0xb8;
	[tilespmem:$0xD800] =	vst v63  }
0xb6: {  	_ =	swait.ge [sflag:s5], $0x8000  }
0xb7: {  	[sflag:s5] =	ssyncset.done $0x0  }
0xb8: {  	[sflag:s5] =	ssyncadd.s32 $0xFFFF8000  }
0xb9: {  	[tilespmem:s3], [sflag:$0x1] =	stream.linear.gather [hbm4b:s19+s3], $0x800, $0x38;
	[tilespmem:$0xD800] =	vst v63  }
0xba: {  	_ =	swait.ge [sflag:s5], $0x800  }
0xbb: {  	[sflag:s5] =	ssyncset.done $0x0  }
0xbc: {  	[sflag:s5] =	ssyncadd.s32 $0xFFFFF800  }
0xbd: {  	[spmem:s2] =	stream.indirect.scatter.add.f32 [tilespmem:s6], [sflag:$0x1], $0x10, s3, s6, $0xb8;
	[tilespmem:$0xD800] =	vst v63  }
0xbe: {  	_ =	swait.ge [sflag:s5], $0x8000  }
0xbf: {  	[sflag:s5] =	ssyncset.done $0x0  }
.Ltmp1:
0xc0: {  	[sflag:s5] =	ssyncadd.s32 $0xFFFF8000;
	(pc) =	sbr.rel @p0 .LBB2_1-.Ltmp1, $4  }
0xc1: {  	[bflag:$0x0] =	sbarrier.arrive $0xFFFF  }
0xc2: {  	[hbm:s20], [sflag:s8] =	dma.local [spmem:s9], $0xA00  }
0xc3: {  	_ =	swait.ge [sflag:s5], $0xA00  }
0xc4: {  	[sflag:s5] =	ssyncset.done $0x0  }
.LBB2_2:
0xc5: {  	[sflag:s5] =	ssyncadd.s32 $0xFFFFF600  }
0xc6: {  	_ =	sfence.sel $0x180000  }
0xc7: {  	[bflag:$0x0] =	sbarrier.arrive $0xFFFF  }
0xc8: {  	p0 =	sne.s32 s1, $0x0;
	_ =	strace $0x90000047  }
0xc9: {  	s0 =	sadd.s32 @!p0 $0x100000, s0;
	[bflag:$0x2] =	sbarrier.arrive $0xFFFF  }
0xca: {  	[sflag:s0] =	ssyncadd.tile.s32 @!p0 $0x1;
	_ =	shalt  }
.Lfunc_end2:
_tile_overlayer_lowered:
.L_overlay_start_2:
0xcb: {  	(tag) =	ssettag $0x2  }
0xcc: {  	s0 =	rddreg [dreg:$0x0];
	s2 =	stileid.u32  }
0xcd: {  	s1 =	rddreg [dreg:$0x1];
	p0 =	sne.s32 s2, $0x0  }
0xce: {  	s3 =	rddreg [dreg:$0x2];
	[bflag:$0x3] =	sbarrier.arrive $0xFFFF;
	s2 =	simm.s32 @!p0 $0x1C01  }
0xcf: {  	[timem:s3], [sflag:s2] =	dma.local @!p0 [hbm:s0], s1  }
0xd0: {  	s0 =	simm.s32 @!p0 $0x1  }
0xd1: {  	_ =	swait.ge @!p0 [sflag:s0], s1  }
0xd2: {  	s1 =	ssub.s32 @!p0 $0x0, s1;
	[sflag:s0] =	ssyncset.done @!p0 $0x0  }
0xd3: {  	[sflag:s0] =	ssyncadd.s32 @!p0 s1  }
0xd4: {  	[bflag:$0x3] =	sbarrier.arrive $0xFFFF  }
0xd5: {  	_ =	shalt  }

</sc_bundles>
